<compile_context>
chip_gen: v7x
topology: tpu7x:2x2x1
jax: 0.10.2.dev20260603
libtpu: 0.0.44.dev20260713+nightly
codegen_flags: <defaults>
</compile_context>

<pallas_src>
import functools

import jax
import jax.numpy as jnp
from jax import lax
from jax.experimental import pallas as pl
from jax.experimental.pallas import tpu as pltpu, tpu_sc as plsc

NNODE = 10000
NEDGE = 320000
NF = 128
NCLS = 40

NC = 2
NS = 16
NW = NC * NS
CHUNK = 64
CPT = (-(-NEDGE // (NS * CHUNK)) + 7) // 8 * 8
EPAD = NS * CPT * CHUNK
EW = EPAD // NW
NP_ = 10240
CPE = CPT // NC
ZCH = NP_ // CHUNK
RPT = NP_ // NS
BM = 512
GRID = NP_ // BM

def _deg_body(dst_hbm, out_hbm, dst_v, hist_v):
    c = lax.axis_index("c")
    s = lax.axis_index("s")
    wid = c * NS + s

    def zbody(i, carry):
        hist_v[pl.ds(i * 16, 16)] = jnp.zeros((16,), jnp.float32)
        return carry

    lax.fori_loop(0, NP_ // 16, zbody, 0)
    pltpu.sync_copy(dst_hbm.at[pl.ds(wid * EW, EW)], dst_v)

    def gbody(g, carry):
        iv = dst_v[pl.ds(g * 16, 16)]
        plsc.addupdate_scatter(hist_v, [iv], jnp.ones((16,), jnp.float32))
        return carry

    lax.fori_loop(0, EW // 16, gbody, 0)
    pltpu.sync_copy(hist_v, out_hbm.at[wid])


@functools.cache
def _deg_call():
    mesh = plsc.VectorSubcoreMesh(core_axis_name="c", subcore_axis_name="s")
    return pl.kernel(
        _deg_body,
        compiler_params=pltpu.CompilerParams(needs_layout_passes=False),
        out_type=jax.ShapeDtypeStruct((NW, NP_), jnp.float32),
        mesh=mesh,
        scratch_types=[
            pltpu.VMEM((EW,), jnp.int32),
            pltpu.VMEM((NP_,), jnp.float32),
        ],
    )


NBUF = 4


def _scat_body(z_hbm, src_hbm, dst_hbm, zrow_hbm, out_hbm,
               src_v, db0, db1, db2, db3, r0, r1, r2, r3, acc,
               g0, g1, g2, g3, s0, s1, s2, s3, d0, d1, d2, d3):
    c = lax.axis_index("c")
    s = lax.axis_index("s")
    pltpu.sync_copy(zrow_hbm, r0)
    for t in range(-(-ZCH // NS)):
        k = s + NS * t

        @pl.when(k < ZCH)
        def _():
            pltpu.sync_copy(r0, acc.at[pl.ds(k * CHUNK, CHUNK)])

    tid = c * NS + s
    pltpu.sync_copy(src_hbm.at[pl.ds(tid * CPE * CHUNK, CPE * CHUNK)],
                    src_v)
    ebase = tid * CPE * CHUNK
    plsc.subcore_barrier()
    rows = [r0, r1, r2, r3]
    dstb = [db0, db1, db2, db3]
    gsem = [g0, g1, g2, g3]
    ssem = [s0, s1, s2, s3]
    dsem = [d0, d1, d2, d3]
    for b in range(NBUF):
        pltpu.async_copy(dst_hbm.at[pl.ds(ebase + b * CHUNK, CHUNK)],
                         dstb[b], dsem[b])
        pltpu.async_copy(z_hbm.at[src_v.at[pl.ds(b * CHUNK, CHUNK)]],
                         rows[b], gsem[b])

    def round_body(g, carry):
        base = g * NBUF
        for b in range(NBUF):
            j = base + b
            pltpu.make_async_copy(
                dst_hbm.at[pl.ds(ebase + j * CHUNK, CHUNK)], dstb[b],
                dsem[b]).wait()
            pltpu.make_async_copy(
                z_hbm.at[src_v.at[pl.ds(j * CHUNK, CHUNK)]], rows[b],
                gsem[b]).wait()
            pltpu.async_copy(rows[b], acc.at[dstb[b]], ssem[b], add=True)
        for b in range(NBUF):
            j = base + b
            pltpu.make_async_copy(rows[b], acc.at[dstb[b]], ssem[b]).wait()
            nj = j + NBUF

            @pl.when(nj < CPE)
            def _():
                pltpu.async_copy(
                    dst_hbm.at[pl.ds(ebase + nj * CHUNK, CHUNK)], dstb[b],
                    dsem[b])
                pltpu.async_copy(
                    z_hbm.at[src_v.at[pl.ds(nj * CHUNK, CHUNK)]],
                    rows[b], gsem[b])

        return carry

    lax.fori_loop(0, CPE // NBUF, round_body, 0)
    plsc.subcore_barrier()
    pltpu.sync_copy(acc.at[pl.ds(s * RPT, RPT)],
                    out_hbm.at[pl.ds(c * NP_ + s * RPT, RPT)])


@functools.cache
def _scat_call():
    mesh = plsc.VectorSubcoreMesh(core_axis_name="c", subcore_axis_name="s")
    return pl.kernel(
        _scat_body,
        out_type=jax.ShapeDtypeStruct((NC * NP_, NF), jnp.float32),
        mesh=mesh,
        scratch_types=(
            [pltpu.VMEM((CPE * CHUNK,), jnp.int32)]
            + [pltpu.VMEM((CHUNK,), jnp.int32)] * NBUF
            + [pltpu.VMEM((CHUNK, NF), jnp.float32)] * NBUF
            + [pltpu.VMEM_SHARED((NP_, NF), jnp.float32)]
            + [pltpu.SemaphoreType.DMA] * (3 * NBUF)
        ),
    )


def _z1_body(x_ref, w_ref, degp_ref, z_ref):
    deg = jnp.sum(degp_ref[...], axis=0)[:, None] + 1.0
    dinv = lax.rsqrt(deg)
    z_ref[...] = jnp.dot(x_ref[...], w_ref[...],
                         preferred_element_type=jnp.float32) * dinv


_z1_call = pl.pallas_call(
    _z1_body,
    grid=(GRID,),
    in_specs=[
        pl.BlockSpec((BM, NF), lambda i: (i, 0)),
        pl.BlockSpec((NF, NF), lambda i: (0, 0)),
        pl.BlockSpec((NW, BM), lambda i: (0, i)),
    ],
    out_specs=pl.BlockSpec((BM, NF), lambda i: (i, 0)),
    out_shape=jax.ShapeDtypeStruct((NP_, NF), jnp.float32),
)


def _comb1_body(rawa_ref, rawb_ref, z1_ref, degp_ref, b1_ref, w2_ref,
                h1_ref, z2_ref):
    deg = jnp.sum(degp_ref[...], axis=0)[:, None] + 1.0
    dinv = lax.rsqrt(deg)
    raw = rawa_ref[...] + rawb_ref[...]
    h1 = jnp.maximum(
        dinv * (raw + z1_ref[...]) + b1_ref[...], 0.0)
    h1_ref[...] = h1
    z2_ref[...] = dinv * jnp.dot(h1, w2_ref[...],
                                 preferred_element_type=jnp.float32)


_comb1_call = pl.pallas_call(
    _comb1_body,
    grid=(GRID,),
    in_specs=[
        pl.BlockSpec((BM, NF), lambda i: (i, 0)),
        pl.BlockSpec((BM, NF), lambda i: (i + GRID, 0)),
        pl.BlockSpec((BM, NF), lambda i: (i, 0)),
        pl.BlockSpec((NW, BM), lambda i: (0, i)),
        pl.BlockSpec((1, NF), lambda i: (0, 0)),
        pl.BlockSpec((NF, NF), lambda i: (0, 0)),
    ],
    out_specs=[
        pl.BlockSpec((BM, NF), lambda i: (i, 0)),
        pl.BlockSpec((BM, NF), lambda i: (i, 0)),
    ],
    out_shape=[
        jax.ShapeDtypeStruct((NP_, NF), jnp.float32),
        jax.ShapeDtypeStruct((NP_, NF), jnp.float32),
    ],
)


def _comb2_body(rawa_ref, rawb_ref, z2_ref, degp_ref, b2_ref, h1_ref,
                wl_ref, bl_ref, o_ref):
    deg = jnp.sum(degp_ref[...], axis=0)[:, None] + 1.0
    dinv = lax.rsqrt(deg)
    raw = rawa_ref[...] + rawb_ref[...]
    h2 = jnp.maximum(
        dinv * (raw + z2_ref[...]) + b2_ref[...], 0.0)
    y = (jnp.dot(h1_ref[...], wl_ref[0:NF, :],
                 preferred_element_type=jnp.float32)
         + jnp.dot(h2, wl_ref[NF:2 * NF, :],
                   preferred_element_type=jnp.float32)
         + bl_ref[...])
    m = jnp.max(y, axis=1, keepdims=True)
    lse = jnp.log(jnp.sum(jnp.exp(y - m), axis=1, keepdims=True))
    o_ref[...] = y - m - lse


_comb2_call = pl.pallas_call(
    _comb2_body,
    grid=(GRID,),
    in_specs=[
        pl.BlockSpec((BM, NF), lambda i: (i, 0)),
        pl.BlockSpec((BM, NF), lambda i: (i + GRID, 0)),
        pl.BlockSpec((BM, NF), lambda i: (i, 0)),
        pl.BlockSpec((NW, BM), lambda i: (0, i)),
        pl.BlockSpec((1, NF), lambda i: (0, 0)),
        pl.BlockSpec((BM, NF), lambda i: (i, 0)),
        pl.BlockSpec((2 * NF, NF), lambda i: (0, 0)),
        pl.BlockSpec((1, NF), lambda i: (0, 0)),
    ],
    out_specs=pl.BlockSpec((BM, NF), lambda i: (i, 0)),
    out_shape=jax.ShapeDtypeStruct((NP_, NF), jnp.float32),
)


def kernel(x, edge_index, W1, b1, W2, b2, Wlin, blin):
    f32 = jnp.float32
    npad = EPAD - NEDGE
    pad_src = jnp.arange(npad, dtype=jnp.int32) % NNODE
    pad_dst = NNODE + jnp.arange(npad, dtype=jnp.int32) % (NP_ - NNODE)
    src = jnp.concatenate([edge_index[0], pad_src])
    dst = jnp.concatenate([edge_index[1], pad_dst])
    xp = jnp.zeros((NP_, NF), f32).at[:NNODE, :].set(x)
    zrow = jnp.zeros((CHUNK, NF), f32)

    degp = _deg_call()(dst)
    z1 = _z1_call(xp, W1, degp)
    raw1 = _scat_call()(z1, src, dst, zrow)
    h1, z2 = _comb1_call(raw1, raw1, z1, degp, b1.reshape(1, NF), W2)
    raw2 = _scat_call()(z2, src, dst, zrow)
    wl = jnp.zeros((2 * NF, NF), f32).at[:, :NCLS].set(Wlin)
    bl = jnp.full((1, NF), -1e30, f32).at[0, :NCLS].set(blin)
    out = _comb2_call(raw2, raw2, z2, degp, b2.reshape(1, NF), h1, wl, bl)
    return out[:NNODE, :NCLS]

# --- scband reference (transcript-rebuilt; emitter-appended) ---
"""Pipeline reference for scband-gcn-5471788335195 (READ-ONLY COPY).

The authoritative reference and input builder live on the scoring server;
editing this copy changes nothing except your own understanding.
"""

import jax, jax.numpy as jnp
import numpy as np

N = 10000
E = 320000
NFEAT = 128
NHID = 128
NCLASS = 40


def setup_inputs(seed: int = 0) -> dict:
    key = jax.random.key(seed)
    ks = jax.random.split(key, 8)
    x = jax.random.normal(ks[0], (N, NFEAT), dtype=jnp.float32)
    edge_index = jax.random.randint(ks[1], (2, E), 0, N, dtype=jnp.int32)
    # GCNConv layer 1 params (Glorot-like init)
    W1 = jax.random.normal(ks[2], (NFEAT, NHID), dtype=jnp.float32) * (1.0 / np.sqrt(NFEAT))
    b1 = jnp.zeros((NHID,), dtype=jnp.float32)
    # GCNConv layer 2 params
    W2 = jax.random.normal(ks[3], (NHID, NHID), dtype=jnp.float32) * (1.0 / np.sqrt(NHID))
    b2 = jnp.zeros((NHID,), dtype=jnp.float32)
    # final Linear over concat of layer outputs (res=True -> nhid*nlayer inputs)
    Wlin = jax.random.normal(ks[4], (NHID * 2, NCLASS), dtype=jnp.float32) * (1.0 / np.sqrt(NHID * 2))
    blin = jnp.zeros((NCLASS,), dtype=jnp.float32)
    return {"x": x, "edge_index": edge_index, "W1": W1, "b1": b1, "W2": W2, "b2": b2, "Wlin": Wlin, "blin": blin}


def gcn_conv(x, edge_index, W, b):
    # PyG GCNConv: add self-loops, symmetric deg^-1/2 A deg^-1/2 normalization,
    # linear transform, then scatter-add aggregation to dst nodes.
    n = x.shape[0]
    loop = jnp.arange(n, dtype=edge_index.dtype)
    src = jnp.concatenate([edge_index[0], loop])
    dst = jnp.concatenate([edge_index[1], loop])
    ew = jnp.ones(src.shape[0], dtype=x.dtype)
    deg = jax.ops.segment_sum(ew, dst, num_segments=n)
    dinv = jnp.where(deg > 0, 1.0 / jnp.sqrt(deg), 0.0)
    norm = dinv[src] * dinv[dst]
    xw = x @ W
    msg = xw[src] * norm[:, None]
    out = jax.ops.segment_sum(msg, dst, num_segments=n)
    return out + b


def reference(x, edge_index, W1, b1, W2, b2, Wlin, blin):
    # eval mode: dropout=0.0 is a no-op
    h1 = jax.nn.relu(gcn_conv(x, edge_index, W1, b1))
    h2 = jax.nn.relu(gcn_conv(h1, edge_index, W2, b2))
    h = jnp.concatenate([h1, h2], axis=-1)  # res=True concat of per-layer outputs
    y = h @ Wlin + blin
    return jax.nn.log_softmax(y, axis=1)

if __name__ == "__main__":
    import jax
    _d = setup_inputs()
    print(jax.jit(kernel)(*tuple(_d.values())))

</pallas_src>

<mosaic_0001>
#map = affine_map<(d0, d1) -> (0)>
#map1 = affine_map<(d0, d1) -> (0, 0)>
module attributes {stable_mosaic.version = 14 : i64} {
  func.func @_deg_body(%arg0: i32, %arg1: i32, %arg2: memref<327680xi32, #tpu.memory_space<hbm>>, %arg3: memref<32x10240xf32, #tpu.memory_space<hbm>>, %arg4: memref<10240xi32, #tpu.memory_space<vmem>>, %arg5: memref<10240xf32, #tpu.memory_space<vmem>>) attributes {dimension_semantics = [#tpu.dimension_semantics<core_parallel>, #tpu.dimension_semantics<subcore_parallel>], iteration_bounds = array<i64: 2, 16>, scalar_prefetch = 0 : i64, scratch_operands = 2 : i64, tpu.core_type = #tpu.core_type<sc_vector_subcore>, window_params = [{transform_indices = #map}, {transform_indices = #map1}]} {
    %mul3A = arith.constant 16 : i32
    %mul3A_0 = arith.muli %arg0, %mul3A : i32
    %add3A = arith.addi %mul3A_0, %arg1 : i32
    %scan3A = arith.constant 0 : i32
    %scan3A_1 = arith.constant 0 : i32
    %scan3A_2 = arith.constant 640 : i32
    %scan3A_3 = arith.addi %scan3A_1, %scan3A_2 : i32
    %scan3A_4 = arith.constant 1 : i32
    scf.for %scan3A_14 = %scan3A_1 to %scan3A_3 step %scan3A_4  : i32 {
      %broadcast_in_dim3A = arith.constant 0.000000e+00 : f32
      %broadcast_in_dim3A_15 = vector.broadcast %broadcast_in_dim3A : f32 to vector<16xf32>
      %mul3A_16 = arith.constant 16 : i32
      %mul3A_17 = arith.muli %scan3A_14, %mul3A_16 : i32
      %swap3A = arith.index_cast %mul3A_17 : i32 to index
      %swap3A_18 = tpu.vector_load %arg5[%swap3A] {strides = array<i32>} : memref<10240xf32, #tpu.memory_space<vmem>>, vector<16xf32>,
      tpu.vector_store %arg5[%swap3A], %broadcast_in_dim3A_15 {strides = array<i32>} : memref<10240xf32, #tpu.memory_space<vmem>>, vector<16xf32>,
    }
    %scan3A_5 = arith.constant 640 : i32
    %mul3A_6 = arith.constant 10240 : i32
    %mul3A_7 = arith.muli %add3A, %mul3A_6 : i32
    "tpu.region"() ({
      %run_scoped3A = tpu.sem_alloc : memref<!tpu.dma_semaphore, #tpu.memory_space<semaphore_mem>>
      %dma_start3A = tpu.memref_slice %arg2[%mul3A_7] : memref<327680xi32, #tpu.memory_space<hbm>> -> memref<10240xi32, #tpu.memory_space<hbm>>
      %dma_start3A_14 = tpu.memref_slice %arg2[%mul3A_7] : memref<327680xi32, #tpu.memory_space<hbm>> -> memref<10240xi32, #tpu.memory_space<hbm>>
      tpu.enqueue_dma source(%dma_start3A_14 : memref<10240xi32, #tpu.memory_space<hbm>>) target(%arg4 : memref<10240xi32, #tpu.memory_space<vmem>>) target_semaphore(%run_scoped3A : memref<!tpu.dma_semaphore, #tpu.memory_space<semaphore_mem>>)
      %dma_wait3A = tpu.memref_slice %arg2[%mul3A_7] : memref<327680xi32, #tpu.memory_space<hbm>> -> memref<10240xi32, #tpu.memory_space<hbm>>
      %dma_wait3A_15 = tpu.memref_slice %arg2[%mul3A_7] : memref<327680xi32, #tpu.memory_space<hbm>> -> memref<10240xi32, #tpu.memory_space<hbm>>
      tpu.wait_dma2 semaphore(%run_scoped3A : memref<!tpu.dma_semaphore, #tpu.memory_space<semaphore_mem>>) src(%dma_wait3A_15 : memref<10240xi32, #tpu.memory_space<hbm>>) dst(%arg4 : memref<10240xi32, #tpu.memory_space<vmem>>)
      tpu.yield
    }) : () -> ()
    %scan3A_8 = arith.constant 0 : i32
    %scan3A_9 = arith.constant 0 : i32
    %scan3A_10 = arith.constant 640 : i32
    %scan3A_11 = arith.addi %scan3A_9, %scan3A_10 : i32
    %scan3A_12 = arith.constant 1 : i32
    scf.for %scan3A_14 = %scan3A_9 to %scan3A_11 step %scan3A_12  : i32 {
      %mul3A_15 = arith.constant 16 : i32
      %mul3A_16 = arith.muli %scan3A_14, %mul3A_15 : i32
      %get3A = arith.index_cast %mul3A_16 : i32 to index
      %get3A_17 = tpu.vector_load %arg4[%get3A] {strides = array<i32>} : memref<10240xi32, #tpu.memory_space<vmem>>, vector<16xi32>,
      %broadcast_in_dim3A = arith.constant 1.000000e+00 : f32
      %broadcast_in_dim3A_18 = vector.broadcast %broadcast_in_dim3A : f32 to vector<16xf32>
      tpu.vector_store_idx %arg5[%get3A_17], %broadcast_in_dim3A_18 {add = true} : memref<10240xf32, #tpu.memory_space<vmem>>[vector<16xi32>], vector<16xf32>,
    }
    %scan3A_13 = arith.constant 640 : i32
    "tpu.region"() ({
      %run_scoped3A = tpu.sem_alloc : memref<!tpu.dma_semaphore, #tpu.memory_space<semaphore_mem>>
      %dma_start3A = arith.constant 0 : i32
      %dma_start3A_14 = tpu.memref_slice %arg3[%add3A, %dma_start3A] : memref<32x10240xf32, #tpu.memory_space<hbm>> -> memref<1x10240xf32, #tpu.memory_space<hbm>>
      %dma_start3A_15 = tpu.memref_squeeze %dma_start3A_14 : memref<1x10240xf32, #tpu.memory_space<hbm>> -> memref<10240xf32, #tpu.memory_space<hbm>>
      %dma_start3A_16 = arith.constant 0 : i32
      %dma_start3A_17 = tpu.memref_slice %arg3[%add3A, %dma_start3A_16] : memref<32x10240xf32, #tpu.memory_space<hbm>> -> memref<1x10240xf32, #tpu.memory_space<hbm>>
      %dma_start3A_18 = tpu.memref_squeeze %dma_start3A_17 : memref<1x10240xf32, #tpu.memory_space<hbm>> -> memref<10240xf32, #tpu.memory_space<hbm>>
      tpu.enqueue_dma source(%arg5 : memref<10240xf32, #tpu.memory_space<vmem>>) target(%dma_start3A_18 : memref<10240xf32, #tpu.memory_space<hbm>>) target_semaphore(%run_scoped3A : memref<!tpu.dma_semaphore, #tpu.memory_space<semaphore_mem>>)
      %dma_wait3A = arith.constant 0 : i32
      %dma_wait3A_19 = tpu.memref_slice %arg3[%add3A, %dma_wait3A] : memref<32x10240xf32, #tpu.memory_space<hbm>> -> memref<1x10240xf32, #tpu.memory_space<hbm>>
      %dma_wait3A_20 = tpu.memref_squeeze %dma_wait3A_19 : memref<1x10240xf32, #tpu.memory_space<hbm>> -> memref<10240xf32, #tpu.memory_space<hbm>>
      %dma_wait3A_21 = arith.constant 0 : i32
      %dma_wait3A_22 = tpu.memref_slice %arg3[%add3A, %dma_wait3A_21] : memref<32x10240xf32, #tpu.memory_space<hbm>> -> memref<1x10240xf32, #tpu.memory_space<hbm>>
      %dma_wait3A_23 = tpu.memref_squeeze %dma_wait3A_22 : memref<1x10240xf32, #tpu.memory_space<hbm>> -> memref<10240xf32, #tpu.memory_space<hbm>>
      tpu.wait_dma2 semaphore(%run_scoped3A : memref<!tpu.dma_semaphore, #tpu.memory_space<semaphore_mem>>) src(%arg5 : memref<10240xf32, #tpu.memory_space<vmem>>) dst(%dma_wait3A_23 : memref<10240xf32, #tpu.memory_space<hbm>>)
      tpu.yield
    }) : () -> ()
    return
  }
}

#map = affine_map<(d0, d1) -> (0, 0)>
#map1 = affine_map<(d0, d1) -> (0)>
module attributes {stable_mosaic.version = 14 : i64} {
  func.func @_scat_body(%arg0: i32, %arg1: i32, %arg2: memref<10240x128xf32, #tpu.memory_space<hbm>>, %arg3: memref<327680xi32, #tpu.memory_space<hbm>>, %arg4: memref<327680xi32, #tpu.memory_space<hbm>>, %arg5: memref<64x128xf32, #tpu.memory_space<hbm>>, %arg6: memref<20480x128xf32, #tpu.memory_space<hbm>>, %arg7: memref<10240xi32, #tpu.memory_space<vmem>>, %arg8: memref<64xi32, #tpu.memory_space<vmem>>, %arg9: memref<64xi32, #tpu.memory_space<vmem>>, %arg10: memref<64xi32, #tpu.memory_space<vmem>>, %arg11: memref<64xi32, #tpu.memory_space<vmem>>, %arg12: memref<64x128xf32, #tpu.memory_space<vmem>>, %arg13: memref<64x128xf32, #tpu.memory_space<vmem>>, %arg14: memref<64x128xf32, #tpu.memory_space<vmem>>, %arg15: memref<64x128xf32, #tpu.memory_space<vmem>>, %arg16: memref<10240x128xf32, #tpu.memory_space<vmem_shared>>, %arg17: memref<!tpu.dma_semaphore, #tpu.memory_space<semaphore_mem>>, %arg18: memref<!tpu.dma_semaphore, #tpu.memory_space<semaphore_mem>>, %arg19: memref<!tpu.dma_semaphore, #tpu.memory_space<semaphore_mem>>, %arg20: memref<!tpu.dma_semaphore, #tpu.memory_space<semaphore_mem>>, %arg21: memref<!tpu.dma_semaphore, #tpu.memory_space<semaphore_mem>>, %arg22: memref<!tpu.dma_semaphore, #tpu.memory_space<semaphore_mem>>, %arg23: memref<!tpu.dma_semaphore, #tpu.memory_space<semaphore_mem>>, %arg24: memref<!tpu.dma_semaphore, #tpu.memory_space<semaphore_mem>>, %arg25: memref<!tpu.dma_semaphore, #tpu.memory_space<semaphore_mem>>, %arg26: memref<!tpu.dma_semaphore, #tpu.memory_space<semaphore_mem>>, %arg27: memref<!tpu.dma_semaphore, #tpu.memory_space<semaphore_mem>>, %arg28: memref<!tpu.dma_semaphore, #tpu.memory_space<semaphore_mem>>) attributes {dimension_semantics = [#tpu.dimension_semantics<core_parallel>, #tpu.dimension_semantics<subcore_parallel>], iteration_bounds = array<i64: 2, 16>, scalar_prefetch = 0 : i64, scratch_operands = 22 : i64, tpu.core_type = #tpu.core_type<sc_vector_subcore>, window_params = [{transform_indices = #map}, {transform_indices = #map1}, {transform_indices = #map1}, {transform_indices = #map}, {transform_indices = #map}]} {
    "tpu.region"() ({
      %run_scoped3A = tpu.sem_alloc : memref<!tpu.dma_semaphore, #tpu.memory_space<semaphore_mem>>
      tpu.enqueue_dma source(%arg5 : memref<64x128xf32, #tpu.memory_space<hbm>>) target(%arg12 : memref<64x128xf32, #tpu.memory_space<vmem>>) target_semaphore(%run_scoped3A : memref<!tpu.dma_semaphore, #tpu.memory_space<semaphore_mem>>)
      tpu.wait_dma2 semaphore(%run_scoped3A : memref<!tpu.dma_semaphore, #tpu.memory_space<semaphore_mem>>) src(%arg5 : memref<64x128xf32, #tpu.memory_space<hbm>>) dst(%arg12 : memref<64x128xf32, #tpu.memory_space<vmem>>)
      tpu.yield
    }) : () -> ()
    %add3A = arith.constant 0 : i32
    %add3A_0 = arith.addi %arg1, %add3A : i32
    %lt3A = arith.constant 160 : i32
    %lt3A_1 = arith.cmpi slt, %add3A_0, %lt3A : i32
    %convert_element_type3A = arith.extui %lt3A_1 : i1 to i32
    %cond3A = arith.constant 0 : i32
    %cond3A_2 = arith.cmpi ne, %convert_element_type3A, %cond3A : i32
    scf.if %cond3A_2 {
      %mul3A_124 = arith.constant 64 : i32
      %mul3A_125 = arith.muli %add3A_0, %mul3A_124 : i32
      "tpu.region"() ({
        %run_scoped3A = tpu.sem_alloc : memref<!tpu.dma_semaphore, #tpu.memory_space<semaphore_mem>>
        %dma_start3A_126 = arith.constant 0 : i32
        %dma_start3A_127 = tpu.memref_slice %arg16[%mul3A_125, %dma_start3A_126] : memref<10240x128xf32, #tpu.memory_space<vmem_shared>> -> memref<64x128xf32, #tpu.memory_space<vmem_shared>>
        %dma_start3A_128 = arith.constant 0 : i32
        %dma_start3A_129 = tpu.memref_slice %arg16[%mul3A_125, %dma_start3A_128] : memref<10240x128xf32, #tpu.memory_space<vmem_shared>> -> memref<64x128xf32, #tpu.memory_space<vmem_shared>>
        tpu.enqueue_dma source(%arg12 : memref<64x128xf32, #tpu.memory_space<vmem>>) target(%dma_start3A_129 : memref<64x128xf32, #tpu.memory_space<vmem_shared>>) target_semaphore(%run_scoped3A : memref<!tpu.dma_semaphore, #tpu.memory_space<semaphore_mem>>)
        %dma_wait3A = arith.constant 0 : i32
        %dma_wait3A_130 = tpu.memref_slice %arg16[%mul3A_125, %dma_wait3A] : memref<10240x128xf32, #tpu.memory_space<vmem_shared>> -> memref<64x128xf32, #tpu.memory_space<vmem_shared>>
        %dma_wait3A_131 = arith.constant 0 : i32
        %dma_wait3A_132 = tpu.memref_slice %arg16[%mul3A_125, %dma_wait3A_131] : memref<10240x128xf32, #tpu.memory_space<vmem_shared>> -> memref<64x128xf32, #tpu.memory_space<vmem_shared>>
        tpu.wait_dma2 semaphore(%run_scoped3A : memref<!tpu.dma_semaphore, #tpu.memory_space<semaphore_mem>>) src(%arg12 : memref<64x128xf32, #tpu.memory_space<vmem>>) dst(%dma_wait3A_132 : memref<64x128xf32, #tpu.memory_space<vmem_shared>>)
        tpu.yield
      }) : () -> ()
    } else {
    }
    %add3A_3 = arith.constant 16 : i32
    %add3A_4 = arith.addi %arg1, %add3A_3 : i32
    %lt3A_5 = arith.constant 160 : i32
    %lt3A_6 = arith.cmpi slt, %add3A_4, %lt3A_5 : i32
    %convert_element_type3A_7 = arith.extui %lt3A_6 : i1 to i32
    %cond3A_8 = arith.constant 0 : i32
    %cond3A_9 = arith.cmpi ne, %convert_element_type3A_7, %cond3A_8 : i32
    scf.if %cond3A_9 {
      %mul3A_124 = arith.constant 64 : i32
      %mul3A_125 = arith.muli %add3A_4, %mul3A_124 : i32
      "tpu.region"() ({
        %run_scoped3A = tpu.sem_alloc : memref<!tpu.dma_semaphore, #tpu.memory_space<semaphore_mem>>
        %dma_start3A_126 = arith.constant 0 : i32
        %dma_start3A_127 = tpu.memref_slice %arg16[%mul3A_125, %dma_start3A_126] : memref<10240x128xf32, #tpu.memory_space<vmem_shared>> -> memref<64x128xf32, #tpu.memory_space<vmem_shared>>
        %dma_start3A_128 = arith.constant 0 : i32
        %dma_start3A_129 = tpu.memref_slice %arg16[%mul3A_125, %dma_start3A_128] : memref<10240x128xf32, #tpu.memory_space<vmem_shared>> -> memref<64x128xf32, #tpu.memory_space<vmem_shared>>
        tpu.enqueue_dma source(%arg12 : memref<64x128xf32, #tpu.memory_space<vmem>>) target(%dma_start3A_129 : memref<64x128xf32, #tpu.memory_space<vmem_shared>>) target_semaphore(%run_scoped3A : memref<!tpu.dma_semaphore, #tpu.memory_space<semaphore_mem>>)
        %dma_wait3A = arith.constant 0 : i32
        %dma_wait3A_130 = tpu.memref_slice %arg16[%mul3A_125, %dma_wait3A] : memref<10240x128xf32, #tpu.memory_space<vmem_shared>> -> memref<64x128xf32, #tpu.memory_space<vmem_shared>>
        %dma_wait3A_131 = arith.constant 0 : i32
        %dma_wait3A_132 = tpu.memref_slice %arg16[%mul3A_125, %dma_wait3A_131] : memref<10240x128xf32, #tpu.memory_space<vmem_shared>> -> memref<64x128xf32, #tpu.memory_space<vmem_shared>>
        tpu.wait_dma2 semaphore(%run_scoped3A : memref<!tpu.dma_semaphore, #tpu.memory_space<semaphore_mem>>) src(%arg12 : memref<64x128xf32, #tpu.memory_space<vmem>>) dst(%dma_wait3A_132 : memref<64x128xf32, #tpu.memory_space<vmem_shared>>)
        tpu.yield
      }) : () -> ()
    } else {
    }
    %add3A_10 = arith.constant 32 : i32
    %add3A_11 = arith.addi %arg1, %add3A_10 : i32
    %lt3A_12 = arith.constant 160 : i32
    %lt3A_13 = arith.cmpi slt, %add3A_11, %lt3A_12 : i32
    %convert_element_type3A_14 = arith.extui %lt3A_13 : i1 to i32
    %cond3A_15 = arith.constant 0 : i32
    %cond3A_16 = arith.cmpi ne, %convert_element_type3A_14, %cond3A_15 : i32
    scf.if %cond3A_16 {
      %mul3A_124 = arith.constant 64 : i32
      %mul3A_125 = arith.muli %add3A_11, %mul3A_124 : i32
      "tpu.region"() ({
        %run_scoped3A = tpu.sem_alloc : memref<!tpu.dma_semaphore, #tpu.memory_space<semaphore_mem>>
        %dma_start3A_126 = arith.constant 0 : i32
        %dma_start3A_127 = tpu.memref_slice %arg16[%mul3A_125, %dma_start3A_126] : memref<10240x128xf32, #tpu.memory_space<vmem_shared>> -> memref<64x128xf32, #tpu.memory_space<vmem_shared>>
        %dma_start3A_128 = arith.constant 0 : i32
        %dma_start3A_129 = tpu.memref_slice %arg16[%mul3A_125, %dma_start3A_128] : memref<10240x128xf32, #tpu.memory_space<vmem_shared>> -> memref<64x128xf32, #tpu.memory_space<vmem_shared>>
        tpu.enqueue_dma source(%arg12 : memref<64x128xf32, #tpu.memory_space<vmem>>) target(%dma_start3A_129 : memref<64x128xf32, #tpu.memory_space<vmem_shared>>) target_semaphore(%run_scoped3A : memref<!tpu.dma_semaphore, #tpu.memory_space<semaphore_mem>>)
        %dma_wait3A = arith.constant 0 : i32
        %dma_wait3A_130 = tpu.memref_slice %arg16[%mul3A_125, %dma_wait3A] : memref<10240x128xf32, #tpu.memory_space<vmem_shared>> -> memref<64x128xf32, #tpu.memory_space<vmem_shared>>
        %dma_wait3A_131 = arith.constant 0 : i32
        %dma_wait3A_132 = tpu.memref_slice %arg16[%mul3A_125, %dma_wait3A_131] : memref<10240x128xf32, #tpu.memory_space<vmem_shared>> -> memref<64x128xf32, #tpu.memory_space<vmem_shared>>
        tpu.wait_dma2 semaphore(%run_scoped3A : memref<!tpu.dma_semaphore, #tpu.memory_space<semaphore_mem>>) src(%arg12 : memref<64x128xf32, #tpu.memory_space<vmem>>) dst(%dma_wait3A_132 : memref<64x128xf32, #tpu.memory_space<vmem_shared>>)
        tpu.yield
      }) : () -> ()
    } else {
    }
    %add3A_17 = arith.constant 48 : i32
    %add3A_18 = arith.addi %arg1, %add3A_17 : i32
    %lt3A_19 = arith.constant 160 : i32
    %lt3A_20 = arith.cmpi slt, %add3A_18, %lt3A_19 : i32
    %convert_element_type3A_21 = arith.extui %lt3A_20 : i1 to i32
    %cond3A_22 = arith.constant 0 : i32
    %cond3A_23 = arith.cmpi ne, %convert_element_type3A_21, %cond3A_22 : i32
    scf.if %cond3A_23 {
      %mul3A_124 = arith.constant 64 : i32
      %mul3A_125 = arith.muli %add3A_18, %mul3A_124 : i32
      "tpu.region"() ({
        %run_scoped3A = tpu.sem_alloc : memref<!tpu.dma_semaphore, #tpu.memory_space<semaphore_mem>>
        %dma_start3A_126 = arith.constant 0 : i32
        %dma_start3A_127 = tpu.memref_slice %arg16[%mul3A_125, %dma_start3A_126] : memref<10240x128xf32, #tpu.memory_space<vmem_shared>> -> memref<64x128xf32, #tpu.memory_space<vmem_shared>>
        %dma_start3A_128 = arith.constant 0 : i32
        %dma_start3A_129 = tpu.memref_slice %arg16[%mul3A_125, %dma_start3A_128] : memref<10240x128xf32, #tpu.memory_space<vmem_shared>> -> memref<64x128xf32, #tpu.memory_space<vmem_shared>>
        tpu.enqueue_dma source(%arg12 : memref<64x128xf32, #tpu.memory_space<vmem>>) target(%dma_start3A_129 : memref<64x128xf32, #tpu.memory_space<vmem_shared>>) target_semaphore(%run_scoped3A : memref<!tpu.dma_semaphore, #tpu.memory_space<semaphore_mem>>)
        %dma_wait3A = arith.constant 0 : i32
        %dma_wait3A_130 = tpu.memref_slice %arg16[%mul3A_125, %dma_wait3A] : memref<10240x128xf32, #tpu.memory_space<vmem_shared>> -> memref<64x128xf32, #tpu.memory_space<vmem_shared>>
        %dma_wait3A_131 = arith.constant 0 : i32
        %dma_wait3A_132 = tpu.memref_slice %arg16[%mul3A_125, %dma_wait3A_131] : memref<10240x128xf32, #tpu.memory_space<vmem_shared>> -> memref<64x128xf32, #tpu.memory_space<vmem_shared>>
        tpu.wait_dma2 semaphore(%run_scoped3A : memref<!tpu.dma_semaphore, #tpu.memory_space<semaphore_mem>>) src(%arg12 : memref<64x128xf32, #tpu.memory_space<vmem>>) dst(%dma_wait3A_132 : memref<64x128xf32, #tpu.memory_space<vmem_shared>>)
        tpu.yield
      }) : () -> ()
    } else {
    }
    %add3A_24 = arith.constant 64 : i32
    %add3A_25 = arith.addi %arg1, %add3A_24 : i32
    %lt3A_26 = arith.constant 160 : i32
    %lt3A_27 = arith.cmpi slt, %add3A_25, %lt3A_26 : i32
    %convert_element_type3A_28 = arith.extui %lt3A_27 : i1 to i32
    %cond3A_29 = arith.constant 0 : i32
    %cond3A_30 = arith.cmpi ne, %convert_element_type3A_28, %cond3A_29 : i32
    scf.if %cond3A_30 {
      %mul3A_124 = arith.constant 64 : i32
      %mul3A_125 = arith.muli %add3A_25, %mul3A_124 : i32
      "tpu.region"() ({
        %run_scoped3A = tpu.sem_alloc : memref<!tpu.dma_semaphore, #tpu.memory_space<semaphore_mem>>
        %dma_start3A_126 = arith.constant 0 : i32
        %dma_start3A_127 = tpu.memref_slice %arg16[%mul3A_125, %dma_start3A_126] : memref<10240x128xf32, #tpu.memory_space<vmem_shared>> -> memref<64x128xf32, #tpu.memory_space<vmem_shared>>
        %dma_start3A_128 = arith.constant 0 : i32
        %dma_start3A_129 = tpu.memref_slice %arg16[%mul3A_125, %dma_start3A_128] : memref<10240x128xf32, #tpu.memory_space<vmem_shared>> -> memref<64x128xf32, #tpu.memory_space<vmem_shared>>
        tpu.enqueue_dma source(%arg12 : memref<64x128xf32, #tpu.memory_space<vmem>>) target(%dma_start3A_129 : memref<64x128xf32, #tpu.memory_space<vmem_shared>>) target_semaphore(%run_scoped3A : memref<!tpu.dma_semaphore, #tpu.memory_space<semaphore_mem>>)
        %dma_wait3A = arith.constant 0 : i32
        %dma_wait3A_130 = tpu.memref_slice %arg16[%mul3A_125, %dma_wait3A] : memref<10240x128xf32, #tpu.memory_space<vmem_shared>> -> memref<64x128xf32, #tpu.memory_space<vmem_shared>>
        %dma_wait3A_131 = arith.constant 0 : i32
        %dma_wait3A_132 = tpu.memref_slice %arg16[%mul3A_125, %dma_wait3A_131] : memref<10240x128xf32, #tpu.memory_space<vmem_shared>> -> memref<64x128xf32, #tpu.memory_space<vmem_shared>>
        tpu.wait_dma2 semaphore(%run_scoped3A : memref<!tpu.dma_semaphore, #tpu.memory_space<semaphore_mem>>) src(%arg12 : memref<64x128xf32, #tpu.memory_space<vmem>>) dst(%dma_wait3A_132 : memref<64x128xf32, #tpu.memory_space<vmem_shared>>)
        tpu.yield
      }) : () -> ()
    } else {
    }
    %add3A_31 = arith.constant 80 : i32
    %add3A_32 = arith.addi %arg1, %add3A_31 : i32
    %lt3A_33 = arith.constant 160 : i32
    %lt3A_34 = arith.cmpi slt, %add3A_32, %lt3A_33 : i32
    %convert_element_type3A_35 = arith.extui %lt3A_34 : i1 to i32
    %cond3A_36 = arith.constant 0 : i32
    %cond3A_37 = arith.cmpi ne, %convert_element_type3A_35, %cond3A_36 : i32
    scf.if %cond3A_37 {
      %mul3A_124 = arith.constant 64 : i32
      %mul3A_125 = arith.muli %add3A_32, %mul3A_124 : i32
      "tpu.region"() ({
        %run_scoped3A = tpu.sem_alloc : memref<!tpu.dma_semaphore, #tpu.memory_space<semaphore_mem>>
        %dma_start3A_126 = arith.constant 0 : i32
        %dma_start3A_127 = tpu.memref_slice %arg16[%mul3A_125, %dma_start3A_126] : memref<10240x128xf32, #tpu.memory_space<vmem_shared>> -> memref<64x128xf32, #tpu.memory_space<vmem_shared>>
        %dma_start3A_128 = arith.constant 0 : i32
        %dma_start3A_129 = tpu.memref_slice %arg16[%mul3A_125, %dma_start3A_128] : memref<10240x128xf32, #tpu.memory_space<vmem_shared>> -> memref<64x128xf32, #tpu.memory_space<vmem_shared>>
        tpu.enqueue_dma source(%arg12 : memref<64x128xf32, #tpu.memory_space<vmem>>) target(%dma_start3A_129 : memref<64x128xf32, #tpu.memory_space<vmem_shared>>) target_semaphore(%run_scoped3A : memref<!tpu.dma_semaphore, #tpu.memory_space<semaphore_mem>>)
        %dma_wait3A = arith.constant 0 : i32
        %dma_wait3A_130 = tpu.memref_slice %arg16[%mul3A_125, %dma_wait3A] : memref<10240x128xf32, #tpu.memory_space<vmem_shared>> -> memref<64x128xf32, #tpu.memory_space<vmem_shared>>
        %dma_wait3A_131 = arith.constant 0 : i32
        %dma_wait3A_132 = tpu.memref_slice %arg16[%mul3A_125, %dma_wait3A_131] : memref<10240x128xf32, #tpu.memory_space<vmem_shared>> -> memref<64x128xf32, #tpu.memory_space<vmem_shared>>
        tpu.wait_dma2 semaphore(%run_scoped3A : memref<!tpu.dma_semaphore, #tpu.memory_space<semaphore_mem>>) src(%arg12 : memref<64x128xf32, #tpu.memory_space<vmem>>) dst(%dma_wait3A_132 : memref<64x128xf32, #tpu.memory_space<vmem_shared>>)
        tpu.yield
      }) : () -> ()
    } else {
    }
    %add3A_38 = arith.constant 96 : i32
    %add3A_39 = arith.addi %arg1, %add3A_38 : i32
    %lt3A_40 = arith.constant 160 : i32
    %lt3A_41 = arith.cmpi slt, %add3A_39, %lt3A_40 : i32
    %convert_element_type3A_42 = arith.extui %lt3A_41 : i1 to i32
    %cond3A_43 = arith.constant 0 : i32
    %cond3A_44 = arith.cmpi ne, %convert_element_type3A_42, %cond3A_43 : i32
    scf.if %cond3A_44 {
      %mul3A_124 = arith.constant 64 : i32
      %mul3A_125 = arith.muli %add3A_39, %mul3A_124 : i32
      "tpu.region"() ({
        %run_scoped3A = tpu.sem_alloc : memref<!tpu.dma_semaphore, #tpu.memory_space<semaphore_mem>>
        %dma_start3A_126 = arith.constant 0 : i32
        %dma_start3A_127 = tpu.memref_slice %arg16[%mul3A_125, %dma_start3A_126] : memref<10240x128xf32, #tpu.memory_space<vmem_shared>> -> memref<64x128xf32, #tpu.memory_space<vmem_shared>>
        %dma_start3A_128 = arith.constant 0 : i32
        %dma_start3A_129 = tpu.memref_slice %arg16[%mul3A_125, %dma_start3A_128] : memref<10240x128xf32, #tpu.memory_space<vmem_shared>> -> memref<64x128xf32, #tpu.memory_space<vmem_shared>>
        tpu.enqueue_dma source(%arg12 : memref<64x128xf32, #tpu.memory_space<vmem>>) target(%dma_start3A_129 : memref<64x128xf32, #tpu.memory_space<vmem_shared>>) target_semaphore(%run_scoped3A : memref<!tpu.dma_semaphore, #tpu.memory_space<semaphore_mem>>)
        %dma_wait3A = arith.constant 0 : i32
        %dma_wait3A_130 = tpu.memref_slice %arg16[%mul3A_125, %dma_wait3A] : memref<10240x128xf32, #tpu.memory_space<vmem_shared>> -> memref<64x128xf32, #tpu.memory_space<vmem_shared>>
        %dma_wait3A_131 = arith.constant 0 : i32
        %dma_wait3A_132 = tpu.memref_slice %arg16[%mul3A_125, %dma_wait3A_131] : memref<10240x128xf32, #tpu.memory_space<vmem_shared>> -> memref<64x128xf32, #tpu.memory_space<vmem_shared>>
        tpu.wait_dma2 semaphore(%run_scoped3A : memref<!tpu.dma_semaphore, #tpu.memory_space<semaphore_mem>>) src(%arg12 : memref<64x128xf32, #tpu.memory_space<vmem>>) dst(%dma_wait3A_132 : memref<64x128xf32, #tpu.memory_space<vmem_shared>>)
        tpu.yield
      }) : () -> ()
    } else {
    }
    %add3A_45 = arith.constant 112 : i32
    %add3A_46 = arith.addi %arg1, %add3A_45 : i32
    %lt3A_47 = arith.constant 160 : i32
    %lt3A_48 = arith.cmpi slt, %add3A_46, %lt3A_47 : i32
    %convert_element_type3A_49 = arith.extui %lt3A_48 : i1 to i32
    %cond3A_50 = arith.constant 0 : i32
    %cond3A_51 = arith.cmpi ne, %convert_element_type3A_49, %cond3A_50 : i32
    scf.if %cond3A_51 {
      %mul3A_124 = arith.constant 64 : i32
      %mul3A_125 = arith.muli %add3A_46, %mul3A_124 : i32
      "tpu.region"() ({
        %run_scoped3A = tpu.sem_alloc : memref<!tpu.dma_semaphore, #tpu.memory_space<semaphore_mem>>
        %dma_start3A_126 = arith.constant 0 : i32
        %dma_start3A_127 = tpu.memref_slice %arg16[%mul3A_125, %dma_start3A_126] : memref<10240x128xf32, #tpu.memory_space<vmem_shared>> -> memref<64x128xf32, #tpu.memory_space<vmem_shared>>
        %dma_start3A_128 = arith.constant 0 : i32
        %dma_start3A_129 = tpu.memref_slice %arg16[%mul3A_125, %dma_start3A_128] : memref<10240x128xf32, #tpu.memory_space<vmem_shared>> -> memref<64x128xf32, #tpu.memory_space<vmem_shared>>
        tpu.enqueue_dma source(%arg12 : memref<64x128xf32, #tpu.memory_space<vmem>>) target(%dma_start3A_129 : memref<64x128xf32, #tpu.memory_space<vmem_shared>>) target_semaphore(%run_scoped3A : memref<!tpu.dma_semaphore, #tpu.memory_space<semaphore_mem>>)
        %dma_wait3A = arith.constant 0 : i32
        %dma_wait3A_130 = tpu.memref_slice %arg16[%mul3A_125, %dma_wait3A] : memref<10240x128xf32, #tpu.memory_space<vmem_shared>> -> memref<64x128xf32, #tpu.memory_space<vmem_shared>>
        %dma_wait3A_131 = arith.constant 0 : i32
        %dma_wait3A_132 = tpu.memref_slice %arg16[%mul3A_125, %dma_wait3A_131] : memref<10240x128xf32, #tpu.memory_space<vmem_shared>> -> memref<64x128xf32, #tpu.memory_space<vmem_shared>>
        tpu.wait_dma2 semaphore(%run_scoped3A : memref<!tpu.dma_semaphore, #tpu.memory_space<semaphore_mem>>) src(%arg12 : memref<64x128xf32, #tpu.memory_space<vmem>>) dst(%dma_wait3A_132 : memref<64x128xf32, #tpu.memory_space<vmem_shared>>)
        tpu.yield
      }) : () -> ()
    } else {
    }
    %add3A_52 = arith.constant 128 : i32
    %add3A_53 = arith.addi %arg1, %add3A_52 : i32
    %lt3A_54 = arith.constant 160 : i32
    %lt3A_55 = arith.cmpi slt, %add3A_53, %lt3A_54 : i32
    %convert_element_type3A_56 = arith.extui %lt3A_55 : i1 to i32
    %cond3A_57 = arith.constant 0 : i32
    %cond3A_58 = arith.cmpi ne, %convert_element_type3A_56, %cond3A_57 : i32
    scf.if %cond3A_58 {
      %mul3A_124 = arith.constant 64 : i32
      %mul3A_125 = arith.muli %add3A_53, %mul3A_124 : i32
      "tpu.region"() ({
        %run_scoped3A = tpu.sem_alloc : memref<!tpu.dma_semaphore, #tpu.memory_space<semaphore_mem>>
        %dma_start3A_126 = arith.constant 0 : i32
        %dma_start3A_127 = tpu.memref_slice %arg16[%mul3A_125, %dma_start3A_126] : memref<10240x128xf32, #tpu.memory_space<vmem_shared>> -> memref<64x128xf32, #tpu.memory_space<vmem_shared>>
        %dma_start3A_128 = arith.constant 0 : i32
        %dma_start3A_129 = tpu.memref_slice %arg16[%mul3A_125, %dma_start3A_128] : memref<10240x128xf32, #tpu.memory_space<vmem_shared>> -> memref<64x128xf32, #tpu.memory_space<vmem_shared>>
        tpu.enqueue_dma source(%arg12 : memref<64x128xf32, #tpu.memory_space<vmem>>) target(%dma_start3A_129 : memref<64x128xf32, #tpu.memory_space<vmem_shared>>) target_semaphore(%run_scoped3A : memref<!tpu.dma_semaphore, #tpu.memory_space<semaphore_mem>>)
        %dma_wait3A = arith.constant 0 : i32
        %dma_wait3A_130 = tpu.memref_slice %arg16[%mul3A_125, %dma_wait3A] : memref<10240x128xf32, #tpu.memory_space<vmem_shared>> -> memref<64x128xf32, #tpu.memory_space<vmem_shared>>
        %dma_wait3A_131 = arith.constant 0 : i32
        %dma_wait3A_132 = tpu.memref_slice %arg16[%mul3A_125, %dma_wait3A_131] : memref<10240x128xf32, #tpu.memory_space<vmem_shared>> -> memref<64x128xf32, #tpu.memory_space<vmem_shared>>
        tpu.wait_dma2 semaphore(%run_scoped3A : memref<!tpu.dma_semaphore, #tpu.memory_space<semaphore_mem>>) src(%arg12 : memref<64x128xf32, #tpu.memory_space<vmem>>) dst(%dma_wait3A_132 : memref<64x128xf32, #tpu.memory_space<vmem_shared>>)
        tpu.yield
      }) : () -> ()
    } else {
    }
    %add3A_59 = arith.constant 144 : i32
    %add3A_60 = arith.addi %arg1, %add3A_59 : i32
    %lt3A_61 = arith.constant 160 : i32
    %lt3A_62 = arith.cmpi slt, %add3A_60, %lt3A_61 : i32
    %convert_element_type3A_63 = arith.extui %lt3A_62 : i1 to i32
    %cond3A_64 = arith.constant 0 : i32
    %cond3A_65 = arith.cmpi ne, %convert_element_type3A_63, %cond3A_64 : i32
    scf.if %cond3A_65 {
      %mul3A_124 = arith.constant 64 : i32
      %mul3A_125 = arith.muli %add3A_60, %mul3A_124 : i32
      "tpu.region"() ({
        %run_scoped3A = tpu.sem_alloc : memref<!tpu.dma_semaphore, #tpu.memory_space<semaphore_mem>>
        %dma_start3A_126 = arith.constant 0 : i32
        %dma_start3A_127 = tpu.memref_slice %arg16[%mul3A_125, %dma_start3A_126] : memref<10240x128xf32, #tpu.memory_space<vmem_shared>> -> memref<64x128xf32, #tpu.memory_space<vmem_shared>>
        %dma_start3A_128 = arith.constant 0 : i32
        %dma_start3A_129 = tpu.memref_slice %arg16[%mul3A_125, %dma_start3A_128] : memref<10240x128xf32, #tpu.memory_space<vmem_shared>> -> memref<64x128xf32, #tpu.memory_space<vmem_shared>>
        tpu.enqueue_dma source(%arg12 : memref<64x128xf32, #tpu.memory_space<vmem>>) target(%dma_start3A_129 : memref<64x128xf32, #tpu.memory_space<vmem_shared>>) target_semaphore(%run_scoped3A : memref<!tpu.dma_semaphore, #tpu.memory_space<semaphore_mem>>)
        %dma_wait3A = arith.constant 0 : i32
        %dma_wait3A_130 = tpu.memref_slice %arg16[%mul3A_125, %dma_wait3A] : memref<10240x128xf32, #tpu.memory_space<vmem_shared>> -> memref<64x128xf32, #tpu.memory_space<vmem_shared>>
        %dma_wait3A_131 = arith.constant 0 : i32
        %dma_wait3A_132 = tpu.memref_slice %arg16[%mul3A_125, %dma_wait3A_131] : memref<10240x128xf32, #tpu.memory_space<vmem_shared>> -> memref<64x128xf32, #tpu.memory_space<vmem_shared>>
        tpu.wait_dma2 semaphore(%run_scoped3A : memref<!tpu.dma_semaphore, #tpu.memory_space<semaphore_mem>>) src(%arg12 : memref<64x128xf32, #tpu.memory_space<vmem>>) dst(%dma_wait3A_132 : memref<64x128xf32, #tpu.memory_space<vmem_shared>>)
        tpu.yield
      }) : () -> ()
    } else {
    }
    %mul3A = arith.constant 16 : i32
    %mul3A_66 = arith.muli %arg0, %mul3A : i32
    %add3A_67 = arith.addi %mul3A_66, %arg1 : i32
    %mul3A_68 = arith.constant 160 : i32
    %mul3A_69 = arith.muli %add3A_67, %mul3A_68 : i32
    %mul3A_70 = arith.constant 64 : i32
    %mul3A_71 = arith.muli %mul3A_69, %mul3A_70 : i32
    "tpu.region"() ({
      %run_scoped3A = tpu.sem_alloc : memref<!tpu.dma_semaphore, #tpu.memory_space<semaphore_mem>>
      %dma_start3A_124 = tpu.memref_slice %arg3[%mul3A_71] : memref<327680xi32, #tpu.memory_space<hbm>> -> memref<10240xi32, #tpu.memory_space<hbm>>
      %dma_start3A_125 = tpu.memref_slice %arg3[%mul3A_71] : memref<327680xi32, #tpu.memory_space<hbm>> -> memref<10240xi32, #tpu.memory_space<hbm>>
      tpu.enqueue_dma source(%dma_start3A_125 : memref<10240xi32, #tpu.memory_space<hbm>>) target(%arg7 : memref<10240xi32, #tpu.memory_space<vmem>>) target_semaphore(%run_scoped3A : memref<!tpu.dma_semaphore, #tpu.memory_space<semaphore_mem>>)
      %dma_wait3A = tpu.memref_slice %arg3[%mul3A_71] : memref<327680xi32, #tpu.memory_space<hbm>> -> memref<10240xi32, #tpu.memory_space<hbm>>
      %dma_wait3A_126 = tpu.memref_slice %arg3[%mul3A_71] : memref<327680xi32, #tpu.memory_space<hbm>> -> memref<10240xi32, #tpu.memory_space<hbm>>
      tpu.wait_dma2 semaphore(%run_scoped3A : memref<!tpu.dma_semaphore, #tpu.memory_space<semaphore_mem>>) src(%dma_wait3A_126 : memref<10240xi32, #tpu.memory_space<hbm>>) dst(%arg7 : memref<10240xi32, #tpu.memory_space<vmem>>)
      tpu.yield
    }) : () -> ()
    %mul3A_72 = arith.constant 160 : i32
    %mul3A_73 = arith.muli %add3A_67, %mul3A_72 : i32
    %mul3A_74 = arith.constant 64 : i32
    %mul3A_75 = arith.muli %mul3A_73, %mul3A_74 : i32
    %barrier3A = arith.constant 0 : index
    tpu.barrier barrier_id(%barrier3A)
    %add3A_76 = arith.constant 0 : i32
    %add3A_77 = arith.addi %mul3A_75, %add3A_76 : i32
    %dma_start3A = tpu.memref_slice %arg4[%add3A_77] : memref<327680xi32, #tpu.memory_space<hbm>> -> memref<64xi32, #tpu.memory_space<hbm>>
    %dma_start3A_78 = tpu.memref_slice %arg4[%add3A_77] : memref<327680xi32, #tpu.memory_space<hbm>> -> memref<64xi32, #tpu.memory_space<hbm>>
    tpu.enqueue_dma source(%dma_start3A_78 : memref<64xi32, #tpu.memory_space<hbm>>) target(%arg8 : memref<64xi32, #tpu.memory_space<vmem>>) target_semaphore(%arg25 : memref<!tpu.dma_semaphore, #tpu.memory_space<semaphore_mem>>)
    %dma_start3A_79 = arith.constant 0 : i32
    %dma_start3A_80 = tpu.memref_slice %arg7[%dma_start3A_79] : memref<10240xi32, #tpu.memory_space<vmem>> -> memref<64xi32, #tpu.memory_space<vmem>>
    %dma_start3A_81 = arith.constant 0 : i32
    %dma_start3A_82 = arith.constant 0 : i32
    %dma_start3A_83 = tpu.memref_slice %arg2[%dma_start3A_81, %dma_start3A_82] : memref<10240x128xf32, #tpu.memory_space<hbm>> -> memref<10240x128xf32, #tpu.memory_space<hbm>>
    tpu.enqueue_indirect_dma source(%dma_start3A_83 : memref<10240x128xf32, #tpu.memory_space<hbm>>) target(%arg12 : memref<64x128xf32, #tpu.memory_space<vmem>>) offsets(%dma_start3A_80 : memref<64xi32, #tpu.memory_space<vmem>>) semaphore(%arg17 : memref<!tpu.dma_semaphore, #tpu.memory_space<semaphore_mem>>)
    %add3A_84 = arith.constant 64 : i32
    %add3A_85 = arith.addi %mul3A_75, %add3A_84 : i32
    %dma_start3A_86 = tpu.memref_slice %arg4[%add3A_85] : memref<327680xi32, #tpu.memory_space<hbm>> -> memref<64xi32, #tpu.memory_space<hbm>>
    %dma_start3A_87 = tpu.memref_slice %arg4[%add3A_85] : memref<327680xi32, #tpu.memory_space<hbm>> -> memref<64xi32, #tpu.memory_space<hbm>>
    tpu.enqueue_dma source(%dma_start3A_87 : memref<64xi32, #tpu.memory_space<hbm>>) target(%arg9 : memref<64xi32, #tpu.memory_space<vmem>>) target_semaphore(%arg26 : memref<!tpu.dma_semaphore, #tpu.memory_space<semaphore_mem>>)
    %dma_start3A_88 = arith.constant 64 : i32
    %dma_start3A_89 = tpu.memref_slice %arg7[%dma_start3A_88] : memref<10240xi32, #tpu.memory_space<vmem>> -> memref<64xi32, #tpu.memory_space<vmem>>
    %dma_start3A_90 = arith.constant 0 : i32
    %dma_start3A_91 = arith.constant 0 : i32
    %dma_start3A_92 = tpu.memref_slice %arg2[%dma_start3A_90, %dma_start3A_91] : memref<10240x128xf32, #tpu.memory_space<hbm>> -> memref<10240x128xf32, #tpu.memory_space<hbm>>
    tpu.enqueue_indirect_dma source(%dma_start3A_92 : memref<10240x128xf32, #tpu.memory_space<hbm>>) target(%arg13 : memref<64x128xf32, #tpu.memory_space<vmem>>) offsets(%dma_start3A_89 : memref<64xi32, #tpu.memory_space<vmem>>) semaphore(%arg18 : memref<!tpu.dma_semaphore, #tpu.memory_space<semaphore_mem>>)
    %add3A_93 = arith.constant 128 : i32
    %add3A_94 = arith.addi %mul3A_75, %add3A_93 : i32
    %dma_start3A_95 = tpu.memref_slice %arg4[%add3A_94] : memref<327680xi32, #tpu.memory_space<hbm>> -> memref<64xi32, #tpu.memory_space<hbm>>
    %dma_start3A_96 = tpu.memref_slice %arg4[%add3A_94] : memref<327680xi32, #tpu.memory_space<hbm>> -> memref<64xi32, #tpu.memory_space<hbm>>
    tpu.enqueue_dma source(%dma_start3A_96 : memref<64xi32, #tpu.memory_space<hbm>>) target(%arg10 : memref<64xi32, #tpu.memory_space<vmem>>) target_semaphore(%arg27 : memref<!tpu.dma_semaphore, #tpu.memory_space<semaphore_mem>>)
    %dma_start3A_97 = arith.constant 128 : i32
    %dma_start3A_98 = tpu.memref_slice %arg7[%dma_start3A_97] : memref<10240xi32, #tpu.memory_space<vmem>> -> memref<64xi32, #tpu.memory_space<vmem>>
    %dma_start3A_99 = arith.constant 0 : i32
    %dma_start3A_100 = arith.constant 0 : i32
    %dma_start3A_101 = tpu.memref_slice %arg2[%dma_start3A_99, %dma_start3A_100] : memref<10240x128xf32, #tpu.memory_space<hbm>> -> memref<10240x128xf32, #tpu.memory_space<hbm>>
    tpu.enqueue_indirect_dma source(%dma_start3A_101 : memref<10240x128xf32, #tpu.memory_space<hbm>>) target(%arg14 : memref<64x128xf32, #tpu.memory_space<vmem>>) offsets(%dma_start3A_98 : memref<64xi32, #tpu.memory_space<vmem>>) semaphore(%arg19 : memref<!tpu.dma_semaphore, #tpu.memory_space<semaphore_mem>>)
    %add3A_102 = arith.constant 192 : i32
    %add3A_103 = arith.addi %mul3A_75, %add3A_102 : i32
    %dma_start3A_104 = tpu.memref_slice %arg4[%add3A_103] : memref<327680xi32, #tpu.memory_space<hbm>> -> memref<64xi32, #tpu.memory_space<hbm>>
    %dma_start3A_105 = tpu.memref_slice %arg4[%add3A_103] : memref<327680xi32, #tpu.memory_space<hbm>> -> memref<64xi32, #tpu.memory_space<hbm>>
    tpu.enqueue_dma source(%dma_start3A_105 : memref<64xi32, #tpu.memory_space<hbm>>) target(%arg11 : memref<64xi32, #tpu.memory_space<vmem>>) target_semaphore(%arg28 : memref<!tpu.dma_semaphore, #tpu.memory_space<semaphore_mem>>)
    %dma_start3A_106 = arith.constant 192 : i32
    %dma_start3A_107 = tpu.memref_slice %arg7[%dma_start3A_106] : memref<10240xi32, #tpu.memory_space<vmem>> -> memref<64xi32, #tpu.memory_space<vmem>>
    %dma_start3A_108 = arith.constant 0 : i32
    %dma_start3A_109 = arith.constant 0 : i32
    %dma_start3A_110 = tpu.memref_slice %arg2[%dma_start3A_108, %dma_start3A_109] : memref<10240x128xf32, #tpu.memory_space<hbm>> -> memref<10240x128xf32, #tpu.memory_space<hbm>>
    tpu.enqueue_indirect_dma source(%dma_start3A_110 : memref<10240x128xf32, #tpu.memory_space<hbm>>) target(%arg15 : memref<64x128xf32, #tpu.memory_space<vmem>>) offsets(%dma_start3A_107 : memref<64xi32, #tpu.memory_space<vmem>>) semaphore(%arg20 : memref<!tpu.dma_semaphore, #tpu.memory_space<semaphore_mem>>)
    %scan3A = arith.constant 0 : i32
    %scan3A_111 = arith.constant 0 : i32
    %scan3A_112 = arith.constant 40 : i32
    %scan3A_113 = arith.addi %scan3A_111, %scan3A_112 : i32
    %scan3A_114 = arith.constant 1 : i32
    scf.for %scan3A_124 = %scan3A_111 to %scan3A_113 step %scan3A_114  : i32 {
      %mul3A_125 = arith.constant 4 : i32
      %mul3A_126 = arith.muli %scan3A_124, %mul3A_125 : i32
      %add3A_127 = arith.constant 0 : i32
      %add3A_128 = arith.addi %mul3A_126, %add3A_127 : i32
      %mul3A_129 = arith.constant 64 : i32
      %mul3A_130 = arith.muli %add3A_128, %mul3A_129 : i32
      %add3A_131 = arith.addi %mul3A_75, %mul3A_130 : i32
      %dma_wait3A = tpu.memref_slice %arg4[%add3A_131] : memref<327680xi32, #tpu.memory_space<hbm>> -> memref<64xi32, #tpu.memory_space<hbm>>
      %dma_wait3A_132 = tpu.memref_slice %arg4[%add3A_131] : memref<327680xi32, #tpu.memory_space<hbm>> -> memref<64xi32, #tpu.memory_space<hbm>>
      tpu.wait_dma2 semaphore(%arg25 : memref<!tpu.dma_semaphore, #tpu.memory_space<semaphore_mem>>) src(%dma_wait3A_132 : memref<64xi32, #tpu.memory_space<hbm>>) dst(%arg8 : memref<64xi32, #tpu.memory_space<vmem>>)
      %mul3A_133 = arith.constant 64 : i32
      %mul3A_134 = arith.muli %add3A_128, %mul3A_133 : i32
      %dma_wait3A_135 = tpu.memref_slice %arg7[%mul3A_134] : memref<10240xi32, #tpu.memory_space<vmem>> -> memref<64xi32, #tpu.memory_space<vmem>>
      %dma_wait3A_136 = arith.constant 0 : i32
      %dma_wait3A_137 = arith.constant 0 : i32
      %dma_wait3A_138 = tpu.memref_slice %arg2[%dma_wait3A_136, %dma_wait3A_137] : memref<10240x128xf32, #tpu.memory_space<hbm>> -> memref<10240x128xf32, #tpu.memory_space<hbm>>
      tpu.wait_indirect_dma semaphore(%arg17 : memref<!tpu.dma_semaphore, #tpu.memory_space<semaphore_mem>>) src(%dma_wait3A_138 : memref<10240x128xf32, #tpu.memory_space<hbm>>) dst(%arg12 : memref<64x128xf32, #tpu.memory_space<vmem>>)
      %dma_start3A_139 = arith.constant 0 : i32
      %dma_start3A_140 = arith.constant 0 : i32
      %dma_start3A_141 = tpu.memref_slice %arg16[%dma_start3A_139, %dma_start3A_140] : memref<10240x128xf32, #tpu.memory_space<vmem_shared>> -> memref<10240x128xf32, #tpu.memory_space<vmem_shared>>
      tpu.enqueue_indirect_dma source(%arg12 : memref<64x128xf32, #tpu.memory_space<vmem>>) target(%dma_start3A_141 : memref<10240x128xf32, #tpu.memory_space<vmem_shared>>) offsets(%arg8 : memref<64xi32, #tpu.memory_space<vmem>>) semaphore(%arg21 : memref<!tpu.dma_semaphore, #tpu.memory_space<semaphore_mem>>) {add = true}
      %add3A_142 = arith.constant 1 : i32
      %add3A_143 = arith.addi %mul3A_126, %add3A_142 : i32
      %mul3A_144 = arith.constant 64 : i32
      %mul3A_145 = arith.muli %add3A_143, %mul3A_144 : i32
      %add3A_146 = arith.addi %mul3A_75, %mul3A_145 : i32
      %dma_wait3A_147 = tpu.memref_slice %arg4[%add3A_146] : memref<327680xi32, #tpu.memory_space<hbm>> -> memref<64xi32, #tpu.memory_space<hbm>>
      %dma_wait3A_148 = tpu.memref_slice %arg4[%add3A_146] : memref<327680xi32, #tpu.memory_space<hbm>> -> memref<64xi32, #tpu.memory_space<hbm>>
      tpu.wait_dma2 semaphore(%arg26 : memref<!tpu.dma_semaphore, #tpu.memory_space<semaphore_mem>>) src(%dma_wait3A_148 : memref<64xi32, #tpu.memory_space<hbm>>) dst(%arg9 : memref<64xi32, #tpu.memory_space<vmem>>)
      %mul3A_149 = arith.constant 64 : i32
      %mul3A_150 = arith.muli %add3A_143, %mul3A_149 : i32
      %dma_wait3A_151 = tpu.memref_slice %arg7[%mul3A_150] : memref<10240xi32, #tpu.memory_space<vmem>> -> memref<64xi32, #tpu.memory_space<vmem>>
      %dma_wait3A_152 = arith.constant 0 : i32
      %dma_wait3A_153 = arith.constant 0 : i32
      %dma_wait3A_154 = tpu.memref_slice %arg2[%dma_wait3A_152, %dma_wait3A_153] : memref<10240x128xf32, #tpu.memory_space<hbm>> -> memref<10240x128xf32, #tpu.memory_space<hbm>>
      tpu.wait_indirect_dma semaphore(%arg18 : memref<!tpu.dma_semaphore, #tpu.memory_space<semaphore_mem>>) src(%dma_wait3A_154 : memref<10240x128xf32, #tpu.memory_space<hbm>>) dst(%arg13 : memref<64x128xf32, #tpu.memory_space<vmem>>)
      %dma_start3A_155 = arith.constant 0 : i32
      %dma_start3A_156 = arith.constant 0 : i32
      %dma_start3A_157 = tpu.memref_slice %arg16[%dma_start3A_155, %dma_start3A_156] : memref<10240x128xf32, #tpu.memory_space<vmem_shared>> -> memref<10240x128xf32, #tpu.memory_space<vmem_shared>>
      tpu.enqueue_indirect_dma source(%arg13 : memref<64x128xf32, #tpu.memory_space<vmem>>) target(%dma_start3A_157 : memref<10240x128xf32, #tpu.memory_space<vmem_shared>>) offsets(%arg9 : memref<64xi32, #tpu.memory_space<vmem>>) semaphore(%arg22 : memref<!tpu.dma_semaphore, #tpu.memory_space<semaphore_mem>>) {add = true}
      %add3A_158 = arith.constant 2 : i32
      %add3A_159 = arith.addi %mul3A_126, %add3A_158 : i32
      %mul3A_160 = arith.constant 64 : i32
      %mul3A_161 = arith.muli %add3A_159, %mul3A_160 : i32
      %add3A_162 = arith.addi %mul3A_75, %mul3A_161 : i32
      %dma_wait3A_163 = tpu.memref_slice %arg4[%add3A_162] : memref<327680xi32, #tpu.memory_space<hbm>> -> memref<64xi32, #tpu.memory_space<hbm>>
      %dma_wait3A_164 = tpu.memref_slice %arg4[%add3A_162] : memref<327680xi32, #tpu.memory_space<hbm>> -> memref<64xi32, #tpu.memory_space<hbm>>
      tpu.wait_dma2 semaphore(%arg27 : memref<!tpu.dma_semaphore, #tpu.memory_space<semaphore_mem>>) src(%dma_wait3A_164 : memref<64xi32, #tpu.memory_space<hbm>>) dst(%arg10 : memref<64xi32, #tpu.memory_space<vmem>>)
      %mul3A_165 = arith.constant 64 : i32
      %mul3A_166 = arith.muli %add3A_159, %mul3A_165 : i32
      %dma_wait3A_167 = tpu.memref_slice %arg7[%mul3A_166] : memref<10240xi32, #tpu.memory_space<vmem>> -> memref<64xi32, #tpu.memory_space<vmem>>
      %dma_wait3A_168 = arith.constant 0 : i32
      %dma_wait3A_169 = arith.constant 0 : i32
      %dma_wait3A_170 = tpu.memref_slice %arg2[%dma_wait3A_168, %dma_wait3A_169] : memref<10240x128xf32, #tpu.memory_space<hbm>> -> memref<10240x128xf32, #tpu.memory_space<hbm>>
      tpu.wait_indirect_dma semaphore(%arg19 : memref<!tpu.dma_semaphore, #tpu.memory_space<semaphore_mem>>) src(%dma_wait3A_170 : memref<10240x128xf32, #tpu.memory_space<hbm>>) dst(%arg14 : memref<64x128xf32, #tpu.memory_space<vmem>>)
      %dma_start3A_171 = arith.constant 0 : i32
      %dma_start3A_172 = arith.constant 0 : i32
      %dma_start3A_173 = tpu.memref_slice %arg16[%dma_start3A_171, %dma_start3A_172] : memref<10240x128xf32, #tpu.memory_space<vmem_shared>> -> memref<10240x128xf32, #tpu.memory_space<vmem_shared>>
      tpu.enqueue_indirect_dma source(%arg14 : memref<64x128xf32, #tpu.memory_space<vmem>>) target(%dma_start3A_173 : memref<10240x128xf32, #tpu.memory_space<vmem_shared>>) offsets(%arg10 : memref<64xi32, #tpu.memory_space<vmem>>) semaphore(%arg23 : memref<!tpu.dma_semaphore, #tpu.memory_space<semaphore_mem>>) {add = true}
      %add3A_174 = arith.constant 3 : i32
      %add3A_175 = arith.addi %mul3A_126, %add3A_174 : i32
      %mul3A_176 = arith.constant 64 : i32
      %mul3A_177 = arith.muli %add3A_175, %mul3A_176 : i32
      %add3A_178 = arith.addi %mul3A_75, %mul3A_177 : i32
      %dma_wait3A_179 = tpu.memref_slice %arg4[%add3A_178] : memref<327680xi32, #tpu.memory_space<hbm>> -> memref<64xi32, #tpu.memory_space<hbm>>
      %dma_wait3A_180 = tpu.memref_slice %arg4[%add3A_178] : memref<327680xi32, #tpu.memory_space<hbm>> -> memref<64xi32, #tpu.memory_space<hbm>>
      tpu.wait_dma2 semaphore(%arg28 : memref<!tpu.dma_semaphore, #tpu.memory_space<semaphore_mem>>) src(%dma_wait3A_180 : memref<64xi32, #tpu.memory_space<hbm>>) dst(%arg11 : memref<64xi32, #tpu.memory_space<vmem>>)
      %mul3A_181 = arith.constant 64 : i32
      %mul3A_182 = arith.muli %add3A_175, %mul3A_181 : i32
      %dma_wait3A_183 = tpu.memref_slice %arg7[%mul3A_182] : memref<10240xi32, #tpu.memory_space<vmem>> -> memref<64xi32, #tpu.memory_space<vmem>>
      %dma_wait3A_184 = arith.constant 0 : i32
      %dma_wait3A_185 = arith.constant 0 : i32
      %dma_wait3A_186 = tpu.memref_slice %arg2[%dma_wait3A_184, %dma_wait3A_185] : memref<10240x128xf32, #tpu.memory_space<hbm>> -> memref<10240x128xf32, #tpu.memory_space<hbm>>
      tpu.wait_indirect_dma semaphore(%arg20 : memref<!tpu.dma_semaphore, #tpu.memory_space<semaphore_mem>>) src(%dma_wait3A_186 : memref<10240x128xf32, #tpu.memory_space<hbm>>) dst(%arg15 : memref<64x128xf32, #tpu.memory_space<vmem>>)
      %dma_start3A_187 = arith.constant 0 : i32
      %dma_start3A_188 = arith.constant 0 : i32
      %dma_start3A_189 = tpu.memref_slice %arg16[%dma_start3A_187, %dma_start3A_188] : memref<10240x128xf32, #tpu.memory_space<vmem_shared>> -> memref<10240x128xf32, #tpu.memory_space<vmem_shared>>
      tpu.enqueue_indirect_dma source(%arg15 : memref<64x128xf32, #tpu.memory_space<vmem>>) target(%dma_start3A_189 : memref<10240x128xf32, #tpu.memory_space<vmem_shared>>) offsets(%arg11 : memref<64xi32, #tpu.memory_space<vmem>>) semaphore(%arg24 : memref<!tpu.dma_semaphore, #tpu.memory_space<semaphore_mem>>) {add = true}
      %add3A_190 = arith.constant 0 : i32
      %add3A_191 = arith.addi %mul3A_126, %add3A_190 : i32
      %dma_wait3A_192 = arith.constant 0 : i32
      %dma_wait3A_193 = arith.constant 0 : i32
      %dma_wait3A_194 = tpu.memref_slice %arg16[%dma_wait3A_192, %dma_wait3A_193] : memref<10240x128xf32, #tpu.memory_space<vmem_shared>> -> memref<10240x128xf32, #tpu.memory_space<vmem_shared>>
      tpu.wait_indirect_dma semaphore(%arg21 : memref<!tpu.dma_semaphore, #tpu.memory_space<semaphore_mem>>) src(%arg12 : memref<64x128xf32, #tpu.memory_space<vmem>>) dst(%dma_wait3A_194 : memref<10240x128xf32, #tpu.memory_space<vmem_shared>>)
      %add3A_195 = arith.constant 4 : i32
      %add3A_196 = arith.addi %add3A_191, %add3A_195 : i32
      %lt3A_197 = arith.constant 160 : i32
      %lt3A_198 = arith.cmpi slt, %add3A_196, %lt3A_197 : i32
      %convert_element_type3A_199 = arith.extui %lt3A_198 : i1 to i32
      %cond3A_200 = arith.constant 0 : i32
      %cond3A_201 = arith.cmpi ne, %convert_element_type3A_199, %cond3A_200 : i32
      scf.if %cond3A_201 {
        %mul3A_238 = arith.constant 64 : i32
        %mul3A_239 = arith.muli %add3A_196, %mul3A_238 : i32
        %add3A_240 = arith.addi %mul3A_75, %mul3A_239 : i32
        %dma_start3A_241 = tpu.memref_slice %arg4[%add3A_240] : memref<327680xi32, #tpu.memory_space<hbm>> -> memref<64xi32, #tpu.memory_space<hbm>>
        %dma_start3A_242 = tpu.memref_slice %arg4[%add3A_240] : memref<327680xi32, #tpu.memory_space<hbm>> -> memref<64xi32, #tpu.memory_space<hbm>>
        tpu.enqueue_dma source(%dma_start3A_242 : memref<64xi32, #tpu.memory_space<hbm>>) target(%arg8 : memref<64xi32, #tpu.memory_space<vmem>>) target_semaphore(%arg25 : memref<!tpu.dma_semaphore, #tpu.memory_space<semaphore_mem>>)
        %mul3A_243 = arith.constant 64 : i32
        %mul3A_244 = arith.muli %add3A_196, %mul3A_243 : i32
        %dma_start3A_245 = tpu.memref_slice %arg7[%mul3A_244] : memref<10240xi32, #tpu.memory_space<vmem>> -> memref<64xi32, #tpu.memory_space<vmem>>
        %dma_start3A_246 = arith.constant 0 : i32
        %dma_start3A_247 = arith.constant 0 : i32
        %dma_start3A_248 = tpu.memref_slice %arg2[%dma_start3A_246, %dma_start3A_247] : memref<10240x128xf32, #tpu.memory_space<hbm>> -> memref<10240x128xf32, #tpu.memory_space<hbm>>
        tpu.enqueue_indirect_dma source(%dma_start3A_248 : memref<10240x128xf32, #tpu.memory_space<hbm>>) target(%arg12 : memref<64x128xf32, #tpu.memory_space<vmem>>) offsets(%dma_start3A_245 : memref<64xi32, #tpu.memory_space<vmem>>) semaphore(%arg17 : memref<!tpu.dma_semaphore, #tpu.memory_space<semaphore_mem>>)
      } else {
      }
      %add3A_202 = arith.constant 1 : i32
      %add3A_203 = arith.addi %mul3A_126, %add3A_202 : i32
      %dma_wait3A_204 = arith.constant 0 : i32
      %dma_wait3A_205 = arith.constant 0 : i32
      %dma_wait3A_206 = tpu.memref_slice %arg16[%dma_wait3A_204, %dma_wait3A_205] : memref<10240x128xf32, #tpu.memory_space<vmem_shared>> -> memref<10240x128xf32, #tpu.memory_space<vmem_shared>>
      tpu.wait_indirect_dma semaphore(%arg22 : memref<!tpu.dma_semaphore, #tpu.memory_space<semaphore_mem>>) src(%arg13 : memref<64x128xf32, #tpu.memory_space<vmem>>) dst(%dma_wait3A_206 : memref<10240x128xf32, #tpu.memory_space<vmem_shared>>)
      %add3A_207 = arith.constant 4 : i32
      %add3A_208 = arith.addi %add3A_203, %add3A_207 : i32
      %lt3A_209 = arith.constant 160 : i32
      %lt3A_210 = arith.cmpi slt, %add3A_208, %lt3A_209 : i32
      %convert_element_type3A_211 = arith.extui %lt3A_210 : i1 to i32
      %cond3A_212 = arith.constant 0 : i32
      %cond3A_213 = arith.cmpi ne, %convert_element_type3A_211, %cond3A_212 : i32
      scf.if %cond3A_213 {
        %mul3A_238 = arith.constant 64 : i32
        %mul3A_239 = arith.muli %add3A_208, %mul3A_238 : i32
        %add3A_240 = arith.addi %mul3A_75, %mul3A_239 : i32
        %dma_start3A_241 = tpu.memref_slice %arg4[%add3A_240] : memref<327680xi32, #tpu.memory_space<hbm>> -> memref<64xi32, #tpu.memory_space<hbm>>
        %dma_start3A_242 = tpu.memref_slice %arg4[%add3A_240] : memref<327680xi32, #tpu.memory_space<hbm>> -> memref<64xi32, #tpu.memory_space<hbm>>
        tpu.enqueue_dma source(%dma_start3A_242 : memref<64xi32, #tpu.memory_space<hbm>>) target(%arg9 : memref<64xi32, #tpu.memory_space<vmem>>) target_semaphore(%arg26 : memref<!tpu.dma_semaphore, #tpu.memory_space<semaphore_mem>>)
        %mul3A_243 = arith.constant 64 : i32
        %mul3A_244 = arith.muli %add3A_208, %mul3A_243 : i32
        %dma_start3A_245 = tpu.memref_slice %arg7[%mul3A_244] : memref<10240xi32, #tpu.memory_space<vmem>> -> memref<64xi32, #tpu.memory_space<vmem>>
        %dma_start3A_246 = arith.constant 0 : i32
        %dma_start3A_247 = arith.constant 0 : i32
        %dma_start3A_248 = tpu.memref_slice %arg2[%dma_start3A_246, %dma_start3A_247] : memref<10240x128xf32, #tpu.memory_space<hbm>> -> memref<10240x128xf32, #tpu.memory_space<hbm>>
        tpu.enqueue_indirect_dma source(%dma_start3A_248 : memref<10240x128xf32, #tpu.memory_space<hbm>>) target(%arg13 : memref<64x128xf32, #tpu.memory_space<vmem>>) offsets(%dma_start3A_245 : memref<64xi32, #tpu.memory_space<vmem>>) semaphore(%arg18 : memref<!tpu.dma_semaphore, #tpu.memory_space<semaphore_mem>>)
      } else {
      }
      %add3A_214 = arith.constant 2 : i32
      %add3A_215 = arith.addi %mul3A_126, %add3A_214 : i32
      %dma_wait3A_216 = arith.constant 0 : i32
      %dma_wait3A_217 = arith.constant 0 : i32
      %dma_wait3A_218 = tpu.memref_slice %arg16[%dma_wait3A_216, %dma_wait3A_217] : memref<10240x128xf32, #tpu.memory_space<vmem_shared>> -> memref<10240x128xf32, #tpu.memory_space<vmem_shared>>
      tpu.wait_indirect_dma semaphore(%arg23 : memref<!tpu.dma_semaphore, #tpu.memory_space<semaphore_mem>>) src(%arg14 : memref<64x128xf32, #tpu.memory_space<vmem>>) dst(%dma_wait3A_218 : memref<10240x128xf32, #tpu.memory_space<vmem_shared>>)
      %add3A_219 = arith.constant 4 : i32
      %add3A_220 = arith.addi %add3A_215, %add3A_219 : i32
      %lt3A_221 = arith.constant 160 : i32
      %lt3A_222 = arith.cmpi slt, %add3A_220, %lt3A_221 : i32
      %convert_element_type3A_223 = arith.extui %lt3A_222 : i1 to i32
      %cond3A_224 = arith.constant 0 : i32
      %cond3A_225 = arith.cmpi ne, %convert_element_type3A_223, %cond3A_224 : i32
      scf.if %cond3A_225 {
        %mul3A_238 = arith.constant 64 : i32
        %mul3A_239 = arith.muli %add3A_220, %mul3A_238 : i32
        %add3A_240 = arith.addi %mul3A_75, %mul3A_239 : i32
        %dma_start3A_241 = tpu.memref_slice %arg4[%add3A_240] : memref<327680xi32, #tpu.memory_space<hbm>> -> memref<64xi32, #tpu.memory_space<hbm>>
        %dma_start3A_242 = tpu.memref_slice %arg4[%add3A_240] : memref<327680xi32, #tpu.memory_space<hbm>> -> memref<64xi32, #tpu.memory_space<hbm>>
        tpu.enqueue_dma source(%dma_start3A_242 : memref<64xi32, #tpu.memory_space<hbm>>) target(%arg10 : memref<64xi32, #tpu.memory_space<vmem>>) target_semaphore(%arg27 : memref<!tpu.dma_semaphore, #tpu.memory_space<semaphore_mem>>)
        %mul3A_243 = arith.constant 64 : i32
        %mul3A_244 = arith.muli %add3A_220, %mul3A_243 : i32
        %dma_start3A_245 = tpu.memref_slice %arg7[%mul3A_244] : memref<10240xi32, #tpu.memory_space<vmem>> -> memref<64xi32, #tpu.memory_space<vmem>>
        %dma_start3A_246 = arith.constant 0 : i32
        %dma_start3A_247 = arith.constant 0 : i32
        %dma_start3A_248 = tpu.memref_slice %arg2[%dma_start3A_246, %dma_start3A_247] : memref<10240x128xf32, #tpu.memory_space<hbm>> -> memref<10240x128xf32, #tpu.memory_space<hbm>>
        tpu.enqueue_indirect_dma source(%dma_start3A_248 : memref<10240x128xf32, #tpu.memory_space<hbm>>) target(%arg14 : memref<64x128xf32, #tpu.memory_space<vmem>>) offsets(%dma_start3A_245 : memref<64xi32, #tpu.memory_space<vmem>>) semaphore(%arg19 : memref<!tpu.dma_semaphore, #tpu.memory_space<semaphore_mem>>)
      } else {
      }
      %add3A_226 = arith.constant 3 : i32
      %add3A_227 = arith.addi %mul3A_126, %add3A_226 : i32
      %dma_wait3A_228 = arith.constant 0 : i32
      %dma_wait3A_229 = arith.constant 0 : i32
      %dma_wait3A_230 = tpu.memref_slice %arg16[%dma_wait3A_228, %dma_wait3A_229] : memref<10240x128xf32, #tpu.memory_space<vmem_shared>> -> memref<10240x128xf32, #tpu.memory_space<vmem_shared>>
      tpu.wait_indirect_dma semaphore(%arg24 : memref<!tpu.dma_semaphore, #tpu.memory_space<semaphore_mem>>) src(%arg15 : memref<64x128xf32, #tpu.memory_space<vmem>>) dst(%dma_wait3A_230 : memref<10240x128xf32, #tpu.memory_space<vmem_shared>>)
      %add3A_231 = arith.constant 4 : i32
      %add3A_232 = arith.addi %add3A_227, %add3A_231 : i32
      %lt3A_233 = arith.constant 160 : i32
      %lt3A_234 = arith.cmpi slt, %add3A_232, %lt3A_233 : i32
      %convert_element_type3A_235 = arith.extui %lt3A_234 : i1 to i32
      %cond3A_236 = arith.constant 0 : i32
      %cond3A_237 = arith.cmpi ne, %convert_element_type3A_235, %cond3A_236 : i32
      scf.if %cond3A_237 {
        %mul3A_238 = arith.constant 64 : i32
        %mul3A_239 = arith.muli %add3A_232, %mul3A_238 : i32
        %add3A_240 = arith.addi %mul3A_75, %mul3A_239 : i32
        %dma_start3A_241 = tpu.memref_slice %arg4[%add3A_240] : memref<327680xi32, #tpu.memory_space<hbm>> -> memref<64xi32, #tpu.memory_space<hbm>>
        %dma_start3A_242 = tpu.memref_slice %arg4[%add3A_240] : memref<327680xi32, #tpu.memory_space<hbm>> -> memref<64xi32, #tpu.memory_space<hbm>>
        tpu.enqueue_dma source(%dma_start3A_242 : memref<64xi32, #tpu.memory_space<hbm>>) target(%arg11 : memref<64xi32, #tpu.memory_space<vmem>>) target_semaphore(%arg28 : memref<!tpu.dma_semaphore, #tpu.memory_space<semaphore_mem>>)
        %mul3A_243 = arith.constant 64 : i32
        %mul3A_244 = arith.muli %add3A_232, %mul3A_243 : i32
        %dma_start3A_245 = tpu.memref_slice %arg7[%mul3A_244] : memref<10240xi32, #tpu.memory_space<vmem>> -> memref<64xi32, #tpu.memory_space<vmem>>
        %dma_start3A_246 = arith.constant 0 : i32
        %dma_start3A_247 = arith.constant 0 : i32
        %dma_start3A_248 = tpu.memref_slice %arg2[%dma_start3A_246, %dma_start3A_247] : memref<10240x128xf32, #tpu.memory_space<hbm>> -> memref<10240x128xf32, #tpu.memory_space<hbm>>
        tpu.enqueue_indirect_dma source(%dma_start3A_248 : memref<10240x128xf32, #tpu.memory_space<hbm>>) target(%arg15 : memref<64x128xf32, #tpu.memory_space<vmem>>) offsets(%dma_start3A_245 : memref<64xi32, #tpu.memory_space<vmem>>) semaphore(%arg20 : memref<!tpu.dma_semaphore, #tpu.memory_space<semaphore_mem>>)
      } else {
      }
    }
    %scan3A_115 = arith.constant 40 : i32
    %barrier3A_116 = arith.constant 0 : index
    tpu.barrier barrier_id(%barrier3A_116)
    %mul3A_117 = arith.constant 640 : i32
    %mul3A_118 = arith.muli %arg1, %mul3A_117 : i32
    %mul3A_119 = arith.constant 10240 : i32
    %mul3A_120 = arith.muli %arg0, %mul3A_119 : i32
    %mul3A_121 = arith.constant 640 : i32
    %mul3A_122 = arith.muli %arg1, %mul3A_121 : i32
    %add3A_123 = arith.addi %mul3A_120, %mul3A_122 : i32
    "tpu.region"() ({
      %run_scoped3A = tpu.sem_alloc : memref<!tpu.dma_semaphore, #tpu.memory_space<semaphore_mem>>
      %dma_start3A_124 = arith.constant 0 : i32
      %dma_start3A_125 = tpu.memref_slice %arg6[%add3A_123, %dma_start3A_124] : memref<20480x128xf32, #tpu.memory_space<hbm>> -> memref<640x128xf32, #tpu.memory_space<hbm>>
      %dma_start3A_126 = arith.constant 0 : i32
      %dma_start3A_127 = tpu.memref_slice %arg16[%mul3A_118, %dma_start3A_126] : memref<10240x128xf32, #tpu.memory_space<vmem_shared>> -> memref<640x128xf32, #tpu.memory_space<vmem_shared>>
      tpu.enqueue_dma source(%dma_start3A_127 : memref<640x128xf32, #tpu.memory_space<vmem_shared>>) target(%dma_start3A_125 : memref<640x128xf32, #tpu.memory_space<hbm>>) target_semaphore(%run_scoped3A : memref<!tpu.dma_semaphore, #tpu.memory_space<semaphore_mem>>)
      %dma_wait3A = arith.constant 0 : i32
      %dma_wait3A_128 = tpu.memref_slice %arg6[%add3A_123, %dma_wait3A] : memref<20480x128xf32, #tpu.memory_space<hbm>> -> memref<640x128xf32, #tpu.memory_space<hbm>>
      %dma_wait3A_129 = arith.constant 0 : i32
      %dma_wait3A_130 = tpu.memref_slice %arg16[%mul3A_118, %dma_wait3A_129] : memref<10240x128xf32, #tpu.memory_space<vmem_shared>> -> memref<640x128xf32, #tpu.memory_space<vmem_shared>>
      tpu.wait_dma2 semaphore(%run_scoped3A : memref<!tpu.dma_semaphore, #tpu.memory_space<semaphore_mem>>) src(%dma_wait3A_130 : memref<640x128xf32, #tpu.memory_space<vmem_shared>>) dst(%dma_wait3A_128 : memref<640x128xf32, #tpu.memory_space<hbm>>)
      tpu.yield
    }) : () -> ()
    return
  }
}

#map = affine_map<(d0, d1) -> (0, 0)>
#map1 = affine_map<(d0, d1) -> (0)>
module attributes {stable_mosaic.version = 14 : i64} {
  func.func @_scat_body(%arg0: i32, %arg1: i32, %arg2: memref<10240x128xf32, #tpu.memory_space<hbm>>, %arg3: memref<327680xi32, #tpu.memory_space<hbm>>, %arg4: memref<327680xi32, #tpu.memory_space<hbm>>, %arg5: memref<64x128xf32, #tpu.memory_space<hbm>>, %arg6: memref<20480x128xf32, #tpu.memory_space<hbm>>, %arg7: memref<10240xi32, #tpu.memory_space<vmem>>, %arg8: memref<64xi32, #tpu.memory_space<vmem>>, %arg9: memref<64xi32, #tpu.memory_space<vmem>>, %arg10: memref<64xi32, #tpu.memory_space<vmem>>, %arg11: memref<64xi32, #tpu.memory_space<vmem>>, %arg12: memref<64x128xf32, #tpu.memory_space<vmem>>, %arg13: memref<64x128xf32, #tpu.memory_space<vmem>>, %arg14: memref<64x128xf32, #tpu.memory_space<vmem>>, %arg15: memref<64x128xf32, #tpu.memory_space<vmem>>, %arg16: memref<10240x128xf32, #tpu.memory_space<vmem_shared>>, %arg17: memref<!tpu.dma_semaphore, #tpu.memory_space<semaphore_mem>>, %arg18: memref<!tpu.dma_semaphore, #tpu.memory_space<semaphore_mem>>, %arg19: memref<!tpu.dma_semaphore, #tpu.memory_space<semaphore_mem>>, %arg20: memref<!tpu.dma_semaphore, #tpu.memory_space<semaphore_mem>>, %arg21: memref<!tpu.dma_semaphore, #tpu.memory_space<semaphore_mem>>, %arg22: memref<!tpu.dma_semaphore, #tpu.memory_space<semaphore_mem>>, %arg23: memref<!tpu.dma_semaphore, #tpu.memory_space<semaphore_mem>>, %arg24: memref<!tpu.dma_semaphore, #tpu.memory_space<semaphore_mem>>, %arg25: memref<!tpu.dma_semaphore, #tpu.memory_space<semaphore_mem>>, %arg26: memref<!tpu.dma_semaphore, #tpu.memory_space<semaphore_mem>>, %arg27: memref<!tpu.dma_semaphore, #tpu.memory_space<semaphore_mem>>, %arg28: memref<!tpu.dma_semaphore, #tpu.memory_space<semaphore_mem>>) attributes {dimension_semantics = [#tpu.dimension_semantics<core_parallel>, #tpu.dimension_semantics<subcore_parallel>], iteration_bounds = array<i64: 2, 16>, scalar_prefetch = 0 : i64, scratch_operands = 22 : i64, tpu.core_type = #tpu.core_type<sc_vector_subcore>, window_params = [{transform_indices = #map}, {transform_indices = #map1}, {transform_indices = #map1}, {transform_indices = #map}, {transform_indices = #map}]} {
    "tpu.region"() ({
      %run_scoped3A = tpu.sem_alloc : memref<!tpu.dma_semaphore, #tpu.memory_space<semaphore_mem>>
      tpu.enqueue_dma source(%arg5 : memref<64x128xf32, #tpu.memory_space<hbm>>) target(%arg12 : memref<64x128xf32, #tpu.memory_space<vmem>>) target_semaphore(%run_scoped3A : memref<!tpu.dma_semaphore, #tpu.memory_space<semaphore_mem>>)
      tpu.wait_dma2 semaphore(%run_scoped3A : memref<!tpu.dma_semaphore, #tpu.memory_space<semaphore_mem>>) src(%arg5 : memref<64x128xf32, #tpu.memory_space<hbm>>) dst(%arg12 : memref<64x128xf32, #tpu.memory_space<vmem>>)
      tpu.yield
    }) : () -> ()
    %add3A = arith.constant 0 : i32
    %add3A_0 = arith.addi %arg1, %add3A : i32
    %lt3A = arith.constant 160 : i32
    %lt3A_1 = arith.cmpi slt, %add3A_0, %lt3A : i32
    %convert_element_type3A = arith.extui %lt3A_1 : i1 to i32
    %cond3A = arith.constant 0 : i32
    %cond3A_2 = arith.cmpi ne, %convert_element_type3A, %cond3A : i32
    scf.if %cond3A_2 {
      %mul3A_124 = arith.constant 64 : i32
      %mul3A_125 = arith.muli %add3A_0, %mul3A_124 : i32
      "tpu.region"() ({
        %run_scoped3A = tpu.sem_alloc : memref<!tpu.dma_semaphore, #tpu.memory_space<semaphore_mem>>
        %dma_start3A_126 = arith.constant 0 : i32
        %dma_start3A_127 = tpu.memref_slice %arg16[%mul3A_125, %dma_start3A_126] : memref<10240x128xf32, #tpu.memory_space<vmem_shared>> -> memref<64x128xf32, #tpu.memory_space<vmem_shared>>
        %dma_start3A_128 = arith.constant 0 : i32
        %dma_start3A_129 = tpu.memref_slice %arg16[%mul3A_125, %dma_start3A_128] : memref<10240x128xf32, #tpu.memory_space<vmem_shared>> -> memref<64x128xf32, #tpu.memory_space<vmem_shared>>
        tpu.enqueue_dma source(%arg12 : memref<64x128xf32, #tpu.memory_space<vmem>>) target(%dma_start3A_129 : memref<64x128xf32, #tpu.memory_space<vmem_shared>>) target_semaphore(%run_scoped3A : memref<!tpu.dma_semaphore, #tpu.memory_space<semaphore_mem>>)
        %dma_wait3A = arith.constant 0 : i32
        %dma_wait3A_130 = tpu.memref_slice %arg16[%mul3A_125, %dma_wait3A] : memref<10240x128xf32, #tpu.memory_space<vmem_shared>> -> memref<64x128xf32, #tpu.memory_space<vmem_shared>>
        %dma_wait3A_131 = arith.constant 0 : i32
        %dma_wait3A_132 = tpu.memref_slice %arg16[%mul3A_125, %dma_wait3A_131] : memref<10240x128xf32, #tpu.memory_space<vmem_shared>> -> memref<64x128xf32, #tpu.memory_space<vmem_shared>>
        tpu.wait_dma2 semaphore(%run_scoped3A : memref<!tpu.dma_semaphore, #tpu.memory_space<semaphore_mem>>) src(%arg12 : memref<64x128xf32, #tpu.memory_space<vmem>>) dst(%dma_wait3A_132 : memref<64x128xf32, #tpu.memory_space<vmem_shared>>)
        tpu.yield
      }) : () -> ()
    } else {
    }
    %add3A_3 = arith.constant 16 : i32
    %add3A_4 = arith.addi %arg1, %add3A_3 : i32
    %lt3A_5 = arith.constant 160 : i32
    %lt3A_6 = arith.cmpi slt, %add3A_4, %lt3A_5 : i32
    %convert_element_type3A_7 = arith.extui %lt3A_6 : i1 to i32
    %cond3A_8 = arith.constant 0 : i32
    %cond3A_9 = arith.cmpi ne, %convert_element_type3A_7, %cond3A_8 : i32
    scf.if %cond3A_9 {
      %mul3A_124 = arith.constant 64 : i32
      %mul3A_125 = arith.muli %add3A_4, %mul3A_124 : i32
      "tpu.region"() ({
        %run_scoped3A = tpu.sem_alloc : memref<!tpu.dma_semaphore, #tpu.memory_space<semaphore_mem>>
        %dma_start3A_126 = arith.constant 0 : i32
        %dma_start3A_127 = tpu.memref_slice %arg16[%mul3A_125, %dma_start3A_126] : memref<10240x128xf32, #tpu.memory_space<vmem_shared>> -> memref<64x128xf32, #tpu.memory_space<vmem_shared>>
        %dma_start3A_128 = arith.constant 0 : i32
        %dma_start3A_129 = tpu.memref_slice %arg16[%mul3A_125, %dma_start3A_128] : memref<10240x128xf32, #tpu.memory_space<vmem_shared>> -> memref<64x128xf32, #tpu.memory_space<vmem_shared>>
        tpu.enqueue_dma source(%arg12 : memref<64x128xf32, #tpu.memory_space<vmem>>) target(%dma_start3A_129 : memref<64x128xf32, #tpu.memory_space<vmem_shared>>) target_semaphore(%run_scoped3A : memref<!tpu.dma_semaphore, #tpu.memory_space<semaphore_mem>>)
        %dma_wait3A = arith.constant 0 : i32
        %dma_wait3A_130 = tpu.memref_slice %arg16[%mul3A_125, %dma_wait3A] : memref<10240x128xf32, #tpu.memory_space<vmem_shared>> -> memref<64x128xf32, #tpu.memory_space<vmem_shared>>
        %dma_wait3A_131 = arith.constant 0 : i32
        %dma_wait3A_132 = tpu.memref_slice %arg16[%mul3A_125, %dma_wait3A_131] : memref<10240x128xf32, #tpu.memory_space<vmem_shared>> -> memref<64x128xf32, #tpu.memory_space<vmem_shared>>
        tpu.wait_dma2 semaphore(%run_scoped3A : memref<!tpu.dma_semaphore, #tpu.memory_space<semaphore_mem>>) src(%arg12 : memref<64x128xf32, #tpu.memory_space<vmem>>) dst(%dma_wait3A_132 : memref<64x128xf32, #tpu.memory_space<vmem_shared>>)
        tpu.yield
      }) : () -> ()
    } else {
    }
    %add3A_10 = arith.constant 32 : i32
    %add3A_11 = arith.addi %arg1, %add3A_10 : i32
    %lt3A_12 = arith.constant 160 : i32
    %lt3A_13 = arith.cmpi slt, %add3A_11, %lt3A_12 : i32
    %convert_element_type3A_14 = arith.extui %lt3A_13 : i1 to i32
    %cond3A_15 = arith.constant 0 : i32
    %cond3A_16 = arith.cmpi ne, %convert_element_type3A_14, %cond3A_15 : i32
    scf.if %cond3A_16 {
      %mul3A_124 = arith.constant 64 : i32
      %mul3A_125 = arith.muli %add3A_11, %mul3A_124 : i32
      "tpu.region"() ({
        %run_scoped3A = tpu.sem_alloc : memref<!tpu.dma_semaphore, #tpu.memory_space<semaphore_mem>>
        %dma_start3A_126 = arith.constant 0 : i32
        %dma_start3A_127 = tpu.memref_slice %arg16[%mul3A_125, %dma_start3A_126] : memref<10240x128xf32, #tpu.memory_space<vmem_shared>> -> memref<64x128xf32, #tpu.memory_space<vmem_shared>>
        %dma_start3A_128 = arith.constant 0 : i32
        %dma_start3A_129 = tpu.memref_slice %arg16[%mul3A_125, %dma_start3A_128] : memref<10240x128xf32, #tpu.memory_space<vmem_shared>> -> memref<64x128xf32, #tpu.memory_space<vmem_shared>>
        tpu.enqueue_dma source(%arg12 : memref<64x128xf32, #tpu.memory_space<vmem>>) target(%dma_start3A_129 : memref<64x128xf32, #tpu.memory_space<vmem_shared>>) target_semaphore(%run_scoped3A : memref<!tpu.dma_semaphore, #tpu.memory_space<semaphore_mem>>)
        %dma_wait3A = arith.constant 0 : i32
        %dma_wait3A_130 = tpu.memref_slice %arg16[%mul3A_125, %dma_wait3A] : memref<10240x128xf32, #tpu.memory_space<vmem_shared>> -> memref<64x128xf32, #tpu.memory_space<vmem_shared>>
        %dma_wait3A_131 = arith.constant 0 : i32
        %dma_wait3A_132 = tpu.memref_slice %arg16[%mul3A_125, %dma_wait3A_131] : memref<10240x128xf32, #tpu.memory_space<vmem_shared>> -> memref<64x128xf32, #tpu.memory_space<vmem_shared>>
        tpu.wait_dma2 semaphore(%run_scoped3A : memref<!tpu.dma_semaphore, #tpu.memory_space<semaphore_mem>>) src(%arg12 : memref<64x128xf32, #tpu.memory_space<vmem>>) dst(%dma_wait3A_132 : memref<64x128xf32, #tpu.memory_space<vmem_shared>>)
        tpu.yield
      }) : () -> ()
    } else {
    }
    %add3A_17 = arith.constant 48 : i32
    %add3A_18 = arith.addi %arg1, %add3A_17 : i32
    %lt3A_19 = arith.constant 160 : i32
    %lt3A_20 = arith.cmpi slt, %add3A_18, %lt3A_19 : i32
    %convert_element_type3A_21 = arith.extui %lt3A_20 : i1 to i32
    %cond3A_22 = arith.constant 0 : i32
    %cond3A_23 = arith.cmpi ne, %convert_element_type3A_21, %cond3A_22 : i32
    scf.if %cond3A_23 {
      %mul3A_124 = arith.constant 64 : i32
      %mul3A_125 = arith.muli %add3A_18, %mul3A_124 : i32
      "tpu.region"() ({
        %run_scoped3A = tpu.sem_alloc : memref<!tpu.dma_semaphore, #tpu.memory_space<semaphore_mem>>
        %dma_start3A_126 = arith.constant 0 : i32
        %dma_start3A_127 = tpu.memref_slice %arg16[%mul3A_125, %dma_start3A_126] : memref<10240x128xf32, #tpu.memory_space<vmem_shared>> -> memref<64x128xf32, #tpu.memory_space<vmem_shared>>
        %dma_start3A_128 = arith.constant 0 : i32
        %dma_start3A_129 = tpu.memref_slice %arg16[%mul3A_125, %dma_start3A_128] : memref<10240x128xf32, #tpu.memory_space<vmem_shared>> -> memref<64x128xf32, #tpu.memory_space<vmem_shared>>
        tpu.enqueue_dma source(%arg12 : memref<64x128xf32, #tpu.memory_space<vmem>>) target(%dma_start3A_129 : memref<64x128xf32, #tpu.memory_space<vmem_shared>>) target_semaphore(%run_scoped3A : memref<!tpu.dma_semaphore, #tpu.memory_space<semaphore_mem>>)
        %dma_wait3A = arith.constant 0 : i32
        %dma_wait3A_130 = tpu.memref_slice %arg16[%mul3A_125, %dma_wait3A] : memref<10240x128xf32, #tpu.memory_space<vmem_shared>> -> memref<64x128xf32, #tpu.memory_space<vmem_shared>>
        %dma_wait3A_131 = arith.constant 0 : i32
        %dma_wait3A_132 = tpu.memref_slice %arg16[%mul3A_125, %dma_wait3A_131] : memref<10240x128xf32, #tpu.memory_space<vmem_shared>> -> memref<64x128xf32, #tpu.memory_space<vmem_shared>>
        tpu.wait_dma2 semaphore(%run_scoped3A : memref<!tpu.dma_semaphore, #tpu.memory_space<semaphore_mem>>) src(%arg12 : memref<64x128xf32, #tpu.memory_space<vmem>>) dst(%dma_wait3A_132 : memref<64x128xf32, #tpu.memory_space<vmem_shared>>)
        tpu.yield
      }) : () -> ()
    } else {
    }
    %add3A_24 = arith.constant 64 : i32
    %add3A_25 = arith.addi %arg1, %add3A_24 : i32
    %lt3A_26 = arith.constant 160 : i32
    %lt3A_27 = arith.cmpi slt, %add3A_25, %lt3A_26 : i32
    %convert_element_type3A_28 = arith.extui %lt3A_27 : i1 to i32
    %cond3A_29 = arith.constant 0 : i32
    %cond3A_30 = arith.cmpi ne, %convert_element_type3A_28, %cond3A_29 : i32
    scf.if %cond3A_30 {
      %mul3A_124 = arith.constant 64 : i32
      %mul3A_125 = arith.muli %add3A_25, %mul3A_124 : i32
      "tpu.region"() ({
        %run_scoped3A = tpu.sem_alloc : memref<!tpu.dma_semaphore, #tpu.memory_space<semaphore_mem>>
        %dma_start3A_126 = arith.constant 0 : i32
        %dma_start3A_127 = tpu.memref_slice %arg16[%mul3A_125, %dma_start3A_126] : memref<10240x128xf32, #tpu.memory_space<vmem_shared>> -> memref<64x128xf32, #tpu.memory_space<vmem_shared>>
        %dma_start3A_128 = arith.constant 0 : i32
        %dma_start3A_129 = tpu.memref_slice %arg16[%mul3A_125, %dma_start3A_128] : memref<10240x128xf32, #tpu.memory_space<vmem_shared>> -> memref<64x128xf32, #tpu.memory_space<vmem_shared>>
        tpu.enqueue_dma source(%arg12 : memref<64x128xf32, #tpu.memory_space<vmem>>) target(%dma_start3A_129 : memref<64x128xf32, #tpu.memory_space<vmem_shared>>) target_semaphore(%run_scoped3A : memref<!tpu.dma_semaphore, #tpu.memory_space<semaphore_mem>>)
        %dma_wait3A = arith.constant 0 : i32
        %dma_wait3A_130 = tpu.memref_slice %arg16[%mul3A_125, %dma_wait3A] : memref<10240x128xf32, #tpu.memory_space<vmem_shared>> -> memref<64x128xf32, #tpu.memory_space<vmem_shared>>
        %dma_wait3A_131 = arith.constant 0 : i32
        %dma_wait3A_132 = tpu.memref_slice %arg16[%mul3A_125, %dma_wait3A_131] : memref<10240x128xf32, #tpu.memory_space<vmem_shared>> -> memref<64x128xf32, #tpu.memory_space<vmem_shared>>
        tpu.wait_dma2 semaphore(%run_scoped3A : memref<!tpu.dma_semaphore, #tpu.memory_space<semaphore_mem>>) src(%arg12 : memref<64x128xf32, #tpu.memory_space<vmem>>) dst(%dma_wait3A_132 : memref<64x128xf32, #tpu.memory_space<vmem_shared>>)
        tpu.yield
      }) : () -> ()
    } else {
    }
    %add3A_31 = arith.constant 80 : i32
    %add3A_32 = arith.addi %arg1, %add3A_31 : i32
    %lt3A_33 = arith.constant 160 : i32
    %lt3A_34 = arith.cmpi slt, %add3A_32, %lt3A_33 : i32
    %convert_element_type3A_35 = arith.extui %lt3A_34 : i1 to i32
    %cond3A_36 = arith.constant 0 : i32
    %cond3A_37 = arith.cmpi ne, %convert_element_type3A_35, %cond3A_36 : i32
    scf.if %cond3A_37 {
      %mul3A_124 = arith.constant 64 : i32
      %mul3A_125 = arith.muli %add3A_32, %mul3A_124 : i32
      "tpu.region"() ({
        %run_scoped3A = tpu.sem_alloc : memref<!tpu.dma_semaphore, #tpu.memory_space<semaphore_mem>>
        %dma_start3A_126 = arith.constant 0 : i32
        %dma_start3A_127 = tpu.memref_slice %arg16[%mul3A_125, %dma_start3A_126] : memref<10240x128xf32, #tpu.memory_space<vmem_shared>> -> memref<64x128xf32, #tpu.memory_space<vmem_shared>>
        %dma_start3A_128 = arith.constant 0 : i32
        %dma_start3A_129 = tpu.memref_slice %arg16[%mul3A_125, %dma_start3A_128] : memref<10240x128xf32, #tpu.memory_space<vmem_shared>> -> memref<64x128xf32, #tpu.memory_space<vmem_shared>>
        tpu.enqueue_dma source(%arg12 : memref<64x128xf32, #tpu.memory_space<vmem>>) target(%dma_start3A_129 : memref<64x128xf32, #tpu.memory_space<vmem_shared>>) target_semaphore(%run_scoped3A : memref<!tpu.dma_semaphore, #tpu.memory_space<semaphore_mem>>)
        %dma_wait3A = arith.constant 0 : i32
        %dma_wait3A_130 = tpu.memref_slice %arg16[%mul3A_125, %dma_wait3A] : memref<10240x128xf32, #tpu.memory_space<vmem_shared>> -> memref<64x128xf32, #tpu.memory_space<vmem_shared>>
        %dma_wait3A_131 = arith.constant 0 : i32
        %dma_wait3A_132 = tpu.memref_slice %arg16[%mul3A_125, %dma_wait3A_131] : memref<10240x128xf32, #tpu.memory_space<vmem_shared>> -> memref<64x128xf32, #tpu.memory_space<vmem_shared>>
        tpu.wait_dma2 semaphore(%run_scoped3A : memref<!tpu.dma_semaphore, #tpu.memory_space<semaphore_mem>>) src(%arg12 : memref<64x128xf32, #tpu.memory_space<vmem>>) dst(%dma_wait3A_132 : memref<64x128xf32, #tpu.memory_space<vmem_shared>>)
        tpu.yield
      }) : () -> ()
    } else {
    }
    %add3A_38 = arith.constant 96 : i32
    %add3A_39 = arith.addi %arg1, %add3A_38 : i32
    %lt3A_40 = arith.constant 160 : i32
    %lt3A_41 = arith.cmpi slt, %add3A_39, %lt3A_40 : i32
    %convert_element_type3A_42 = arith.extui %lt3A_41 : i1 to i32
    %cond3A_43 = arith.constant 0 : i32
    %cond3A_44 = arith.cmpi ne, %convert_element_type3A_42, %cond3A_43 : i32
    scf.if %cond3A_44 {
      %mul3A_124 = arith.constant 64 : i32
      %mul3A_125 = arith.muli %add3A_39, %mul3A_124 : i32
      "tpu.region"() ({
        %run_scoped3A = tpu.sem_alloc : memref<!tpu.dma_semaphore, #tpu.memory_space<semaphore_mem>>
        %dma_start3A_126 = arith.constant 0 : i32
        %dma_start3A_127 = tpu.memref_slice %arg16[%mul3A_125, %dma_start3A_126] : memref<10240x128xf32, #tpu.memory_space<vmem_shared>> -> memref<64x128xf32, #tpu.memory_space<vmem_shared>>
        %dma_start3A_128 = arith.constant 0 : i32
        %dma_start3A_129 = tpu.memref_slice %arg16[%mul3A_125, %dma_start3A_128] : memref<10240x128xf32, #tpu.memory_space<vmem_shared>> -> memref<64x128xf32, #tpu.memory_space<vmem_shared>>
        tpu.enqueue_dma source(%arg12 : memref<64x128xf32, #tpu.memory_space<vmem>>) target(%dma_start3A_129 : memref<64x128xf32, #tpu.memory_space<vmem_shared>>) target_semaphore(%run_scoped3A : memref<!tpu.dma_semaphore, #tpu.memory_space<semaphore_mem>>)
        %dma_wait3A = arith.constant 0 : i32
        %dma_wait3A_130 = tpu.memref_slice %arg16[%mul3A_125, %dma_wait3A] : memref<10240x128xf32, #tpu.memory_space<vmem_shared>> -> memref<64x128xf32, #tpu.memory_space<vmem_shared>>
        %dma_wait3A_131 = arith.constant 0 : i32
        %dma_wait3A_132 = tpu.memref_slice %arg16[%mul3A_125, %dma_wait3A_131] : memref<10240x128xf32, #tpu.memory_space<vmem_shared>> -> memref<64x128xf32, #tpu.memory_space<vmem_shared>>
        tpu.wait_dma2 semaphore(%run_scoped3A : memref<!tpu.dma_semaphore, #tpu.memory_space<semaphore_mem>>) src(%arg12 : memref<64x128xf32, #tpu.memory_space<vmem>>) dst(%dma_wait3A_132 : memref<64x128xf32, #tpu.memory_space<vmem_shared>>)
        tpu.yield
      }) : () -> ()
    } else {
    }
    %add3A_45 = arith.constant 112 : i32
    %add3A_46 = arith.addi %arg1, %add3A_45 : i32
    %lt3A_47 = arith.constant 160 : i32
    %lt3A_48 = arith.cmpi slt, %add3A_46, %lt3A_47 : i32
    %convert_element_type3A_49 = arith.extui %lt3A_48 : i1 to i32
    %cond3A_50 = arith.constant 0 : i32
    %cond3A_51 = arith.cmpi ne, %convert_element_type3A_49, %cond3A_50 : i32
    scf.if %cond3A_51 {
      %mul3A_124 = arith.constant 64 : i32
      %mul3A_125 = arith.muli %add3A_46, %mul3A_124 : i32
      "tpu.region"() ({
        %run_scoped3A = tpu.sem_alloc : memref<!tpu.dma_semaphore, #tpu.memory_space<semaphore_mem>>
        %dma_start3A_126 = arith.constant 0 : i32
        %dma_start3A_127 = tpu.memref_slice %arg16[%mul3A_125, %dma_start3A_126] : memref<10240x128xf32, #tpu.memory_space<vmem_shared>> -> memref<64x128xf32, #tpu.memory_space<vmem_shared>>
        %dma_start3A_128 = arith.constant 0 : i32
        %dma_start3A_129 = tpu.memref_slice %arg16[%mul3A_125, %dma_start3A_128] : memref<10240x128xf32, #tpu.memory_space<vmem_shared>> -> memref<64x128xf32, #tpu.memory_space<vmem_shared>>
        tpu.enqueue_dma source(%arg12 : memref<64x128xf32, #tpu.memory_space<vmem>>) target(%dma_start3A_129 : memref<64x128xf32, #tpu.memory_space<vmem_shared>>) target_semaphore(%run_scoped3A : memref<!tpu.dma_semaphore, #tpu.memory_space<semaphore_mem>>)
        %dma_wait3A = arith.constant 0 : i32
        %dma_wait3A_130 = tpu.memref_slice %arg16[%mul3A_125, %dma_wait3A] : memref<10240x128xf32, #tpu.memory_space<vmem_shared>> -> memref<64x128xf32, #tpu.memory_space<vmem_shared>>
        %dma_wait3A_131 = arith.constant 0 : i32
        %dma_wait3A_132 = tpu.memref_slice %arg16[%mul3A_125, %dma_wait3A_131] : memref<10240x128xf32, #tpu.memory_space<vmem_shared>> -> memref<64x128xf32, #tpu.memory_space<vmem_shared>>
        tpu.wait_dma2 semaphore(%run_scoped3A : memref<!tpu.dma_semaphore, #tpu.memory_space<semaphore_mem>>) src(%arg12 : memref<64x128xf32, #tpu.memory_space<vmem>>) dst(%dma_wait3A_132 : memref<64x128xf32, #tpu.memory_space<vmem_shared>>)
        tpu.yield
      }) : () -> ()
    } else {
    }
    %add3A_52 = arith.constant 128 : i32
    %add3A_53 = arith.addi %arg1, %add3A_52 : i32
    %lt3A_54 = arith.constant 160 : i32
    %lt3A_55 = arith.cmpi slt, %add3A_53, %lt3A_54 : i32
    %convert_element_type3A_56 = arith.extui %lt3A_55 : i1 to i32
    %cond3A_57 = arith.constant 0 : i32
    %cond3A_58 = arith.cmpi ne, %convert_element_type3A_56, %cond3A_57 : i32
    scf.if %cond3A_58 {
      %mul3A_124 = arith.constant 64 : i32
      %mul3A_125 = arith.muli %add3A_53, %mul3A_124 : i32
      "tpu.region"() ({
        %run_scoped3A = tpu.sem_alloc : memref<!tpu.dma_semaphore, #tpu.memory_space<semaphore_mem>>
        %dma_start3A_126 = arith.constant 0 : i32
        %dma_start3A_127 = tpu.memref_slice %arg16[%mul3A_125, %dma_start3A_126] : memref<10240x128xf32, #tpu.memory_space<vmem_shared>> -> memref<64x128xf32, #tpu.memory_space<vmem_shared>>
        %dma_start3A_128 = arith.constant 0 : i32
        %dma_start3A_129 = tpu.memref_slice %arg16[%mul3A_125, %dma_start3A_128] : memref<10240x128xf32, #tpu.memory_space<vmem_shared>> -> memref<64x128xf32, #tpu.memory_space<vmem_shared>>
        tpu.enqueue_dma source(%arg12 : memref<64x128xf32, #tpu.memory_space<vmem>>) target(%dma_start3A_129 : memref<64x128xf32, #tpu.memory_space<vmem_shared>>) target_semaphore(%run_scoped3A : memref<!tpu.dma_semaphore, #tpu.memory_space<semaphore_mem>>)
        %dma_wait3A = arith.constant 0 : i32
        %dma_wait3A_130 = tpu.memref_slice %arg16[%mul3A_125, %dma_wait3A] : memref<10240x128xf32, #tpu.memory_space<vmem_shared>> -> memref<64x128xf32, #tpu.memory_space<vmem_shared>>
        %dma_wait3A_131 = arith.constant 0 : i32
        %dma_wait3A_132 = tpu.memref_slice %arg16[%mul3A_125, %dma_wait3A_131] : memref<10240x128xf32, #tpu.memory_space<vmem_shared>> -> memref<64x128xf32, #tpu.memory_space<vmem_shared>>
        tpu.wait_dma2 semaphore(%run_scoped3A : memref<!tpu.dma_semaphore, #tpu.memory_space<semaphore_mem>>) src(%arg12 : memref<64x128xf32, #tpu.memory_space<vmem>>) dst(%dma_wait3A_132 : memref<64x128xf32, #tpu.memory_space<vmem_shared>>)
        tpu.yield
      }) : () -> ()
    } else {
    }
    %add3A_59 = arith.constant 144 : i32
    %add3A_60 = arith.addi %arg1, %add3A_59 : i32
    %lt3A_61 = arith.constant 160 : i32
    %lt3A_62 = arith.cmpi slt, %add3A_60, %lt3A_61 : i32
    %convert_element_type3A_63 = arith.extui %lt3A_62 : i1 to i32
    %cond3A_64 = arith.constant 0 : i32
    %cond3A_65 = arith.cmpi ne, %convert_element_type3A_63, %cond3A_64 : i32
    scf.if %cond3A_65 {
      %mul3A_124 = arith.constant 64 : i32
      %mul3A_125 = arith.muli %add3A_60, %mul3A_124 : i32
      "tpu.region"() ({
        %run_scoped3A = tpu.sem_alloc : memref<!tpu.dma_semaphore, #tpu.memory_space<semaphore_mem>>
        %dma_start3A_126 = arith.constant 0 : i32
        %dma_start3A_127 = tpu.memref_slice %arg16[%mul3A_125, %dma_start3A_126] : memref<10240x128xf32, #tpu.memory_space<vmem_shared>> -> memref<64x128xf32, #tpu.memory_space<vmem_shared>>
        %dma_start3A_128 = arith.constant 0 : i32
        %dma_start3A_129 = tpu.memref_slice %arg16[%mul3A_125, %dma_start3A_128] : memref<10240x128xf32, #tpu.memory_space<vmem_shared>> -> memref<64x128xf32, #tpu.memory_space<vmem_shared>>
        tpu.enqueue_dma source(%arg12 : memref<64x128xf32, #tpu.memory_space<vmem>>) target(%dma_start3A_129 : memref<64x128xf32, #tpu.memory_space<vmem_shared>>) target_semaphore(%run_scoped3A : memref<!tpu.dma_semaphore, #tpu.memory_space<semaphore_mem>>)
        %dma_wait3A = arith.constant 0 : i32
        %dma_wait3A_130 = tpu.memref_slice %arg16[%mul3A_125, %dma_wait3A] : memref<10240x128xf32, #tpu.memory_space<vmem_shared>> -> memref<64x128xf32, #tpu.memory_space<vmem_shared>>
        %dma_wait3A_131 = arith.constant 0 : i32
        %dma_wait3A_132 = tpu.memref_slice %arg16[%mul3A_125, %dma_wait3A_131] : memref<10240x128xf32, #tpu.memory_space<vmem_shared>> -> memref<64x128xf32, #tpu.memory_space<vmem_shared>>
        tpu.wait_dma2 semaphore(%run_scoped3A : memref<!tpu.dma_semaphore, #tpu.memory_space<semaphore_mem>>) src(%arg12 : memref<64x128xf32, #tpu.memory_space<vmem>>) dst(%dma_wait3A_132 : memref<64x128xf32, #tpu.memory_space<vmem_shared>>)
        tpu.yield
      }) : () -> ()
    } else {
    }
    %mul3A = arith.constant 16 : i32
    %mul3A_66 = arith.muli %arg0, %mul3A : i32
    %add3A_67 = arith.addi %mul3A_66, %arg1 : i32
    %mul3A_68 = arith.constant 160 : i32
    %mul3A_69 = arith.muli %add3A_67, %mul3A_68 : i32
    %mul3A_70 = arith.constant 64 : i32
    %mul3A_71 = arith.muli %mul3A_69, %mul3A_70 : i32
    "tpu.region"() ({
      %run_scoped3A = tpu.sem_alloc : memref<!tpu.dma_semaphore, #tpu.memory_space<semaphore_mem>>
      %dma_start3A_124 = tpu.memref_slice %arg3[%mul3A_71] : memref<327680xi32, #tpu.memory_space<hbm>> -> memref<10240xi32, #tpu.memory_space<hbm>>
      %dma_start3A_125 = tpu.memref_slice %arg3[%mul3A_71] : memref<327680xi32, #tpu.memory_space<hbm>> -> memref<10240xi32, #tpu.memory_space<hbm>>
      tpu.enqueue_dma source(%dma_start3A_125 : memref<10240xi32, #tpu.memory_space<hbm>>) target(%arg7 : memref<10240xi32, #tpu.memory_space<vmem>>) target_semaphore(%run_scoped3A : memref<!tpu.dma_semaphore, #tpu.memory_space<semaphore_mem>>)
      %dma_wait3A = tpu.memref_slice %arg3[%mul3A_71] : memref<327680xi32, #tpu.memory_space<hbm>> -> memref<10240xi32, #tpu.memory_space<hbm>>
      %dma_wait3A_126 = tpu.memref_slice %arg3[%mul3A_71] : memref<327680xi32, #tpu.memory_space<hbm>> -> memref<10240xi32, #tpu.memory_space<hbm>>
      tpu.wait_dma2 semaphore(%run_scoped3A : memref<!tpu.dma_semaphore, #tpu.memory_space<semaphore_mem>>) src(%dma_wait3A_126 : memref<10240xi32, #tpu.memory_space<hbm>>) dst(%arg7 : memref<10240xi32, #tpu.memory_space<vmem>>)
      tpu.yield
    }) : () -> ()
    %mul3A_72 = arith.constant 160 : i32
    %mul3A_73 = arith.muli %add3A_67, %mul3A_72 : i32
    %mul3A_74 = arith.constant 64 : i32
    %mul3A_75 = arith.muli %mul3A_73, %mul3A_74 : i32
    %barrier3A = arith.constant 0 : index
    tpu.barrier barrier_id(%barrier3A)
    %add3A_76 = arith.constant 0 : i32
    %add3A_77 = arith.addi %mul3A_75, %add3A_76 : i32
    %dma_start3A = tpu.memref_slice %arg4[%add3A_77] : memref<327680xi32, #tpu.memory_space<hbm>> -> memref<64xi32, #tpu.memory_space<hbm>>
    %dma_start3A_78 = tpu.memref_slice %arg4[%add3A_77] : memref<327680xi32, #tpu.memory_space<hbm>> -> memref<64xi32, #tpu.memory_space<hbm>>
    tpu.enqueue_dma source(%dma_start3A_78 : memref<64xi32, #tpu.memory_space<hbm>>) target(%arg8 : memref<64xi32, #tpu.memory_space<vmem>>) target_semaphore(%arg25 : memref<!tpu.dma_semaphore, #tpu.memory_space<semaphore_mem>>)
    %dma_start3A_79 = arith.constant 0 : i32
    %dma_start3A_80 = tpu.memref_slice %arg7[%dma_start3A_79] : memref<10240xi32, #tpu.memory_space<vmem>> -> memref<64xi32, #tpu.memory_space<vmem>>
    %dma_start3A_81 = arith.constant 0 : i32
    %dma_start3A_82 = arith.constant 0 : i32
    %dma_start3A_83 = tpu.memref_slice %arg2[%dma_start3A_81, %dma_start3A_82] : memref<10240x128xf32, #tpu.memory_space<hbm>> -> memref<10240x128xf32, #tpu.memory_space<hbm>>
    tpu.enqueue_indirect_dma source(%dma_start3A_83 : memref<10240x128xf32, #tpu.memory_space<hbm>>) target(%arg12 : memref<64x128xf32, #tpu.memory_space<vmem>>) offsets(%dma_start3A_80 : memref<64xi32, #tpu.memory_space<vmem>>) semaphore(%arg17 : memref<!tpu.dma_semaphore, #tpu.memory_space<semaphore_mem>>)
    %add3A_84 = arith.constant 64 : i32
    %add3A_85 = arith.addi %mul3A_75, %add3A_84 : i32
    %dma_start3A_86 = tpu.memref_slice %arg4[%add3A_85] : memref<327680xi32, #tpu.memory_space<hbm>> -> memref<64xi32, #tpu.memory_space<hbm>>
    %dma_start3A_87 = tpu.memref_slice %arg4[%add3A_85] : memref<327680xi32, #tpu.memory_space<hbm>> -> memref<64xi32, #tpu.memory_space<hbm>>
    tpu.enqueue_dma source(%dma_start3A_87 : memref<64xi32, #tpu.memory_space<hbm>>) target(%arg9 : memref<64xi32, #tpu.memory_space<vmem>>) target_semaphore(%arg26 : memref<!tpu.dma_semaphore, #tpu.memory_space<semaphore_mem>>)
    %dma_start3A_88 = arith.constant 64 : i32
    %dma_start3A_89 = tpu.memref_slice %arg7[%dma_start3A_88] : memref<10240xi32, #tpu.memory_space<vmem>> -> memref<64xi32, #tpu.memory_space<vmem>>
    %dma_start3A_90 = arith.constant 0 : i32
    %dma_start3A_91 = arith.constant 0 : i32
    %dma_start3A_92 = tpu.memref_slice %arg2[%dma_start3A_90, %dma_start3A_91] : memref<10240x128xf32, #tpu.memory_space<hbm>> -> memref<10240x128xf32, #tpu.memory_space<hbm>>
    tpu.enqueue_indirect_dma source(%dma_start3A_92 : memref<10240x128xf32, #tpu.memory_space<hbm>>) target(%arg13 : memref<64x128xf32, #tpu.memory_space<vmem>>) offsets(%dma_start3A_89 : memref<64xi32, #tpu.memory_space<vmem>>) semaphore(%arg18 : memref<!tpu.dma_semaphore, #tpu.memory_space<semaphore_mem>>)
    %add3A_93 = arith.constant 128 : i32
    %add3A_94 = arith.addi %mul3A_75, %add3A_93 : i32
    %dma_start3A_95 = tpu.memref_slice %arg4[%add3A_94] : memref<327680xi32, #tpu.memory_space<hbm>> -> memref<64xi32, #tpu.memory_space<hbm>>
    %dma_start3A_96 = tpu.memref_slice %arg4[%add3A_94] : memref<327680xi32, #tpu.memory_space<hbm>> -> memref<64xi32, #tpu.memory_space<hbm>>
    tpu.enqueue_dma source(%dma_start3A_96 : memref<64xi32, #tpu.memory_space<hbm>>) target(%arg10 : memref<64xi32, #tpu.memory_space<vmem>>) target_semaphore(%arg27 : memref<!tpu.dma_semaphore, #tpu.memory_space<semaphore_mem>>)
    %dma_start3A_97 = arith.constant 128 : i32
    %dma_start3A_98 = tpu.memref_slice %arg7[%dma_start3A_97] : memref<10240xi32, #tpu.memory_space<vmem>> -> memref<64xi32, #tpu.memory_space<vmem>>
    %dma_start3A_99 = arith.constant 0 : i32
    %dma_start3A_100 = arith.constant 0 : i32
    %dma_start3A_101 = tpu.memref_slice %arg2[%dma_start3A_99, %dma_start3A_100] : memref<10240x128xf32, #tpu.memory_space<hbm>> -> memref<10240x128xf32, #tpu.memory_space<hbm>>
    tpu.enqueue_indirect_dma source(%dma_start3A_101 : memref<10240x128xf32, #tpu.memory_space<hbm>>) target(%arg14 : memref<64x128xf32, #tpu.memory_space<vmem>>) offsets(%dma_start3A_98 : memref<64xi32, #tpu.memory_space<vmem>>) semaphore(%arg19 : memref<!tpu.dma_semaphore, #tpu.memory_space<semaphore_mem>>)
    %add3A_102 = arith.constant 192 : i32
    %add3A_103 = arith.addi %mul3A_75, %add3A_102 : i32
    %dma_start3A_104 = tpu.memref_slice %arg4[%add3A_103] : memref<327680xi32, #tpu.memory_space<hbm>> -> memref<64xi32, #tpu.memory_space<hbm>>
    %dma_start3A_105 = tpu.memref_slice %arg4[%add3A_103] : memref<327680xi32, #tpu.memory_space<hbm>> -> memref<64xi32, #tpu.memory_space<hbm>>
    tpu.enqueue_dma source(%dma_start3A_105 : memref<64xi32, #tpu.memory_space<hbm>>) target(%arg11 : memref<64xi32, #tpu.memory_space<vmem>>) target_semaphore(%arg28 : memref<!tpu.dma_semaphore, #tpu.memory_space<semaphore_mem>>)
    %dma_start3A_106 = arith.constant 192 : i32
    %dma_start3A_107 = tpu.memref_slice %arg7[%dma_start3A_106] : memref<10240xi32, #tpu.memory_space<vmem>> -> memref<64xi32, #tpu.memory_space<vmem>>
    %dma_start3A_108 = arith.constant 0 : i32
    %dma_start3A_109 = arith.constant 0 : i32
    %dma_start3A_110 = tpu.memref_slice %arg2[%dma_start3A_108, %dma_start3A_109] : memref<10240x128xf32, #tpu.memory_space<hbm>> -> memref<10240x128xf32, #tpu.memory_space<hbm>>
    tpu.enqueue_indirect_dma source(%dma_start3A_110 : memref<10240x128xf32, #tpu.memory_space<hbm>>) target(%arg15 : memref<64x128xf32, #tpu.memory_space<vmem>>) offsets(%dma_start3A_107 : memref<64xi32, #tpu.memory_space<vmem>>) semaphore(%arg20 : memref<!tpu.dma_semaphore, #tpu.memory_space<semaphore_mem>>)
    %scan3A = arith.constant 0 : i32
    %scan3A_111 = arith.constant 0 : i32
    %scan3A_112 = arith.constant 40 : i32
    %scan3A_113 = arith.addi %scan3A_111, %scan3A_112 : i32
    %scan3A_114 = arith.constant 1 : i32
    scf.for %scan3A_124 = %scan3A_111 to %scan3A_113 step %scan3A_114  : i32 {
      %mul3A_125 = arith.constant 4 : i32
      %mul3A_126 = arith.muli %scan3A_124, %mul3A_125 : i32
      %add3A_127 = arith.constant 0 : i32
      %add3A_128 = arith.addi %mul3A_126, %add3A_127 : i32
      %mul3A_129 = arith.constant 64 : i32
      %mul3A_130 = arith.muli %add3A_128, %mul3A_129 : i32
      %add3A_131 = arith.addi %mul3A_75, %mul3A_130 : i32
      %dma_wait3A = tpu.memref_slice %arg4[%add3A_131] : memref<327680xi32, #tpu.memory_space<hbm>> -> memref<64xi32, #tpu.memory_space<hbm>>
      %dma_wait3A_132 = tpu.memref_slice %arg4[%add3A_131] : memref<327680xi32, #tpu.memory_space<hbm>> -> memref<64xi32, #tpu.memory_space<hbm>>
      tpu.wait_dma2 semaphore(%arg25 : memref<!tpu.dma_semaphore, #tpu.memory_space<semaphore_mem>>) src(%dma_wait3A_132 : memref<64xi32, #tpu.memory_space<hbm>>) dst(%arg8 : memref<64xi32, #tpu.memory_space<vmem>>)
      %mul3A_133 = arith.constant 64 : i32
      %mul3A_134 = arith.muli %add3A_128, %mul3A_133 : i32
      %dma_wait3A_135 = tpu.memref_slice %arg7[%mul3A_134] : memref<10240xi32, #tpu.memory_space<vmem>> -> memref<64xi32, #tpu.memory_space<vmem>>
      %dma_wait3A_136 = arith.constant 0 : i32
      %dma_wait3A_137 = arith.constant 0 : i32
      %dma_wait3A_138 = tpu.memref_slice %arg2[%dma_wait3A_136, %dma_wait3A_137] : memref<10240x128xf32, #tpu.memory_space<hbm>> -> memref<10240x128xf32, #tpu.memory_space<hbm>>
      tpu.wait_indirect_dma semaphore(%arg17 : memref<!tpu.dma_semaphore, #tpu.memory_space<semaphore_mem>>) src(%dma_wait3A_138 : memref<10240x128xf32, #tpu.memory_space<hbm>>) dst(%arg12 : memref<64x128xf32, #tpu.memory_space<vmem>>)
      %dma_start3A_139 = arith.constant 0 : i32
      %dma_start3A_140 = arith.constant 0 : i32
      %dma_start3A_141 = tpu.memref_slice %arg16[%dma_start3A_139, %dma_start3A_140] : memref<10240x128xf32, #tpu.memory_space<vmem_shared>> -> memref<10240x128xf32, #tpu.memory_space<vmem_shared>>
      tpu.enqueue_indirect_dma source(%arg12 : memref<64x128xf32, #tpu.memory_space<vmem>>) target(%dma_start3A_141 : memref<10240x128xf32, #tpu.memory_space<vmem_shared>>) offsets(%arg8 : memref<64xi32, #tpu.memory_space<vmem>>) semaphore(%arg21 : memref<!tpu.dma_semaphore, #tpu.memory_space<semaphore_mem>>) {add = true}
      %add3A_142 = arith.constant 1 : i32
      %add3A_143 = arith.addi %mul3A_126, %add3A_142 : i32
      %mul3A_144 = arith.constant 64 : i32
      %mul3A_145 = arith.muli %add3A_143, %mul3A_144 : i32
      %add3A_146 = arith.addi %mul3A_75, %mul3A_145 : i32
      %dma_wait3A_147 = tpu.memref_slice %arg4[%add3A_146] : memref<327680xi32, #tpu.memory_space<hbm>> -> memref<64xi32, #tpu.memory_space<hbm>>
      %dma_wait3A_148 = tpu.memref_slice %arg4[%add3A_146] : memref<327680xi32, #tpu.memory_space<hbm>> -> memref<64xi32, #tpu.memory_space<hbm>>
      tpu.wait_dma2 semaphore(%arg26 : memref<!tpu.dma_semaphore, #tpu.memory_space<semaphore_mem>>) src(%dma_wait3A_148 : memref<64xi32, #tpu.memory_space<hbm>>) dst(%arg9 : memref<64xi32, #tpu.memory_space<vmem>>)
      %mul3A_149 = arith.constant 64 : i32
      %mul3A_150 = arith.muli %add3A_143, %mul3A_149 : i32
      %dma_wait3A_151 = tpu.memref_slice %arg7[%mul3A_150] : memref<10240xi32, #tpu.memory_space<vmem>> -> memref<64xi32, #tpu.memory_space<vmem>>
      %dma_wait3A_152 = arith.constant 0 : i32
      %dma_wait3A_153 = arith.constant 0 : i32
      %dma_wait3A_154 = tpu.memref_slice %arg2[%dma_wait3A_152, %dma_wait3A_153] : memref<10240x128xf32, #tpu.memory_space<hbm>> -> memref<10240x128xf32, #tpu.memory_space<hbm>>
      tpu.wait_indirect_dma semaphore(%arg18 : memref<!tpu.dma_semaphore, #tpu.memory_space<semaphore_mem>>) src(%dma_wait3A_154 : memref<10240x128xf32, #tpu.memory_space<hbm>>) dst(%arg13 : memref<64x128xf32, #tpu.memory_space<vmem>>)
      %dma_start3A_155 = arith.constant 0 : i32
      %dma_start3A_156 = arith.constant 0 : i32
      %dma_start3A_157 = tpu.memref_slice %arg16[%dma_start3A_155, %dma_start3A_156] : memref<10240x128xf32, #tpu.memory_space<vmem_shared>> -> memref<10240x128xf32, #tpu.memory_space<vmem_shared>>
      tpu.enqueue_indirect_dma source(%arg13 : memref<64x128xf32, #tpu.memory_space<vmem>>) target(%dma_start3A_157 : memref<10240x128xf32, #tpu.memory_space<vmem_shared>>) offsets(%arg9 : memref<64xi32, #tpu.memory_space<vmem>>) semaphore(%arg22 : memref<!tpu.dma_semaphore, #tpu.memory_space<semaphore_mem>>) {add = true}
      %add3A_158 = arith.constant 2 : i32
      %add3A_159 = arith.addi %mul3A_126, %add3A_158 : i32
      %mul3A_160 = arith.constant 64 : i32
      %mul3A_161 = arith.muli %add3A_159, %mul3A_160 : i32
      %add3A_162 = arith.addi %mul3A_75, %mul3A_161 : i32
      %dma_wait3A_163 = tpu.memref_slice %arg4[%add3A_162] : memref<327680xi32, #tpu.memory_space<hbm>> -> memref<64xi32, #tpu.memory_space<hbm>>
      %dma_wait3A_164 = tpu.memref_slice %arg4[%add3A_162] : memref<327680xi32, #tpu.memory_space<hbm>> -> memref<64xi32, #tpu.memory_space<hbm>>
      tpu.wait_dma2 semaphore(%arg27 : memref<!tpu.dma_semaphore, #tpu.memory_space<semaphore_mem>>) src(%dma_wait3A_164 : memref<64xi32, #tpu.memory_space<hbm>>) dst(%arg10 : memref<64xi32, #tpu.memory_space<vmem>>)
      %mul3A_165 = arith.constant 64 : i32
      %mul3A_166 = arith.muli %add3A_159, %mul3A_165 : i32
      %dma_wait3A_167 = tpu.memref_slice %arg7[%mul3A_166] : memref<10240xi32, #tpu.memory_space<vmem>> -> memref<64xi32, #tpu.memory_space<vmem>>
      %dma_wait3A_168 = arith.constant 0 : i32
      %dma_wait3A_169 = arith.constant 0 : i32
      %dma_wait3A_170 = tpu.memref_slice %arg2[%dma_wait3A_168, %dma_wait3A_169] : memref<10240x128xf32, #tpu.memory_space<hbm>> -> memref<10240x128xf32, #tpu.memory_space<hbm>>
      tpu.wait_indirect_dma semaphore(%arg19 : memref<!tpu.dma_semaphore, #tpu.memory_space<semaphore_mem>>) src(%dma_wait3A_170 : memref<10240x128xf32, #tpu.memory_space<hbm>>) dst(%arg14 : memref<64x128xf32, #tpu.memory_space<vmem>>)
      %dma_start3A_171 = arith.constant 0 : i32
      %dma_start3A_172 = arith.constant 0 : i32
      %dma_start3A_173 = tpu.memref_slice %arg16[%dma_start3A_171, %dma_start3A_172] : memref<10240x128xf32, #tpu.memory_space<vmem_shared>> -> memref<10240x128xf32, #tpu.memory_space<vmem_shared>>
      tpu.enqueue_indirect_dma source(%arg14 : memref<64x128xf32, #tpu.memory_space<vmem>>) target(%dma_start3A_173 : memref<10240x128xf32, #tpu.memory_space<vmem_shared>>) offsets(%arg10 : memref<64xi32, #tpu.memory_space<vmem>>) semaphore(%arg23 : memref<!tpu.dma_semaphore, #tpu.memory_space<semaphore_mem>>) {add = true}
      %add3A_174 = arith.constant 3 : i32
      %add3A_175 = arith.addi %mul3A_126, %add3A_174 : i32
      %mul3A_176 = arith.constant 64 : i32
      %mul3A_177 = arith.muli %add3A_175, %mul3A_176 : i32
      %add3A_178 = arith.addi %mul3A_75, %mul3A_177 : i32
      %dma_wait3A_179 = tpu.memref_slice %arg4[%add3A_178] : memref<327680xi32, #tpu.memory_space<hbm>> -> memref<64xi32, #tpu.memory_space<hbm>>
      %dma_wait3A_180 = tpu.memref_slice %arg4[%add3A_178] : memref<327680xi32, #tpu.memory_space<hbm>> -> memref<64xi32, #tpu.memory_space<hbm>>
      tpu.wait_dma2 semaphore(%arg28 : memref<!tpu.dma_semaphore, #tpu.memory_space<semaphore_mem>>) src(%dma_wait3A_180 : memref<64xi32, #tpu.memory_space<hbm>>) dst(%arg11 : memref<64xi32, #tpu.memory_space<vmem>>)
      %mul3A_181 = arith.constant 64 : i32
      %mul3A_182 = arith.muli %add3A_175, %mul3A_181 : i32
      %dma_wait3A_183 = tpu.memref_slice %arg7[%mul3A_182] : memref<10240xi32, #tpu.memory_space<vmem>> -> memref<64xi32, #tpu.memory_space<vmem>>
      %dma_wait3A_184 = arith.constant 0 : i32
      %dma_wait3A_185 = arith.constant 0 : i32
      %dma_wait3A_186 = tpu.memref_slice %arg2[%dma_wait3A_184, %dma_wait3A_185] : memref<10240x128xf32, #tpu.memory_space<hbm>> -> memref<10240x128xf32, #tpu.memory_space<hbm>>
      tpu.wait_indirect_dma semaphore(%arg20 : memref<!tpu.dma_semaphore, #tpu.memory_space<semaphore_mem>>) src(%dma_wait3A_186 : memref<10240x128xf32, #tpu.memory_space<hbm>>) dst(%arg15 : memref<64x128xf32, #tpu.memory_space<vmem>>)
      %dma_start3A_187 = arith.constant 0 : i32
      %dma_start3A_188 = arith.constant 0 : i32
      %dma_start3A_189 = tpu.memref_slice %arg16[%dma_start3A_187, %dma_start3A_188] : memref<10240x128xf32, #tpu.memory_space<vmem_shared>> -> memref<10240x128xf32, #tpu.memory_space<vmem_shared>>
      tpu.enqueue_indirect_dma source(%arg15 : memref<64x128xf32, #tpu.memory_space<vmem>>) target(%dma_start3A_189 : memref<10240x128xf32, #tpu.memory_space<vmem_shared>>) offsets(%arg11 : memref<64xi32, #tpu.memory_space<vmem>>) semaphore(%arg24 : memref<!tpu.dma_semaphore, #tpu.memory_space<semaphore_mem>>) {add = true}
      %add3A_190 = arith.constant 0 : i32
      %add3A_191 = arith.addi %mul3A_126, %add3A_190 : i32
      %dma_wait3A_192 = arith.constant 0 : i32
      %dma_wait3A_193 = arith.constant 0 : i32
      %dma_wait3A_194 = tpu.memref_slice %arg16[%dma_wait3A_192, %dma_wait3A_193] : memref<10240x128xf32, #tpu.memory_space<vmem_shared>> -> memref<10240x128xf32, #tpu.memory_space<vmem_shared>>
      tpu.wait_indirect_dma semaphore(%arg21 : memref<!tpu.dma_semaphore, #tpu.memory_space<semaphore_mem>>) src(%arg12 : memref<64x128xf32, #tpu.memory_space<vmem>>) dst(%dma_wait3A_194 : memref<10240x128xf32, #tpu.memory_space<vmem_shared>>)
      %add3A_195 = arith.constant 4 : i32
      %add3A_196 = arith.addi %add3A_191, %add3A_195 : i32
      %lt3A_197 = arith.constant 160 : i32
      %lt3A_198 = arith.cmpi slt, %add3A_196, %lt3A_197 : i32
      %convert_element_type3A_199 = arith.extui %lt3A_198 : i1 to i32
      %cond3A_200 = arith.constant 0 : i32
      %cond3A_201 = arith.cmpi ne, %convert_element_type3A_199, %cond3A_200 : i32
      scf.if %cond3A_201 {
        %mul3A_238 = arith.constant 64 : i32
        %mul3A_239 = arith.muli %add3A_196, %mul3A_238 : i32
        %add3A_240 = arith.addi %mul3A_75, %mul3A_239 : i32
        %dma_start3A_241 = tpu.memref_slice %arg4[%add3A_240] : memref<327680xi32, #tpu.memory_space<hbm>> -> memref<64xi32, #tpu.memory_space<hbm>>
        %dma_start3A_242 = tpu.memref_slice %arg4[%add3A_240] : memref<327680xi32, #tpu.memory_space<hbm>> -> memref<64xi32, #tpu.memory_space<hbm>>
        tpu.enqueue_dma source(%dma_start3A_242 : memref<64xi32, #tpu.memory_space<hbm>>) target(%arg8 : memref<64xi32, #tpu.memory_space<vmem>>) target_semaphore(%arg25 : memref<!tpu.dma_semaphore, #tpu.memory_space<semaphore_mem>>)
        %mul3A_243 = arith.constant 64 : i32
        %mul3A_244 = arith.muli %add3A_196, %mul3A_243 : i32
        %dma_start3A_245 = tpu.memref_slice %arg7[%mul3A_244] : memref<10240xi32, #tpu.memory_space<vmem>> -> memref<64xi32, #tpu.memory_space<vmem>>
        %dma_start3A_246 = arith.constant 0 : i32
        %dma_start3A_247 = arith.constant 0 : i32
        %dma_start3A_248 = tpu.memref_slice %arg2[%dma_start3A_246, %dma_start3A_247] : memref<10240x128xf32, #tpu.memory_space<hbm>> -> memref<10240x128xf32, #tpu.memory_space<hbm>>
        tpu.enqueue_indirect_dma source(%dma_start3A_248 : memref<10240x128xf32, #tpu.memory_space<hbm>>) target(%arg12 : memref<64x128xf32, #tpu.memory_space<vmem>>) offsets(%dma_start3A_245 : memref<64xi32, #tpu.memory_space<vmem>>) semaphore(%arg17 : memref<!tpu.dma_semaphore, #tpu.memory_space<semaphore_mem>>)
      } else {
      }
      %add3A_202 = arith.constant 1 : i32
      %add3A_203 = arith.addi %mul3A_126, %add3A_202 : i32
      %dma_wait3A_204 = arith.constant 0 : i32
      %dma_wait3A_205 = arith.constant 0 : i32
      %dma_wait3A_206 = tpu.memref_slice %arg16[%dma_wait3A_204, %dma_wait3A_205] : memref<10240x128xf32, #tpu.memory_space<vmem_shared>> -> memref<10240x128xf32, #tpu.memory_space<vmem_shared>>
      tpu.wait_indirect_dma semaphore(%arg22 : memref<!tpu.dma_semaphore, #tpu.memory_space<semaphore_mem>>) src(%arg13 : memref<64x128xf32, #tpu.memory_space<vmem>>) dst(%dma_wait3A_206 : memref<10240x128xf32, #tpu.memory_space<vmem_shared>>)
      %add3A_207 = arith.constant 4 : i32
      %add3A_208 = arith.addi %add3A_203, %add3A_207 : i32
      %lt3A_209 = arith.constant 160 : i32
      %lt3A_210 = arith.cmpi slt, %add3A_208, %lt3A_209 : i32
      %convert_element_type3A_211 = arith.extui %lt3A_210 : i1 to i32
      %cond3A_212 = arith.constant 0 : i32
      %cond3A_213 = arith.cmpi ne, %convert_element_type3A_211, %cond3A_212 : i32
      scf.if %cond3A_213 {
        %mul3A_238 = arith.constant 64 : i32
        %mul3A_239 = arith.muli %add3A_208, %mul3A_238 : i32
        %add3A_240 = arith.addi %mul3A_75, %mul3A_239 : i32
        %dma_start3A_241 = tpu.memref_slice %arg4[%add3A_240] : memref<327680xi32, #tpu.memory_space<hbm>> -> memref<64xi32, #tpu.memory_space<hbm>>
        %dma_start3A_242 = tpu.memref_slice %arg4[%add3A_240] : memref<327680xi32, #tpu.memory_space<hbm>> -> memref<64xi32, #tpu.memory_space<hbm>>
        tpu.enqueue_dma source(%dma_start3A_242 : memref<64xi32, #tpu.memory_space<hbm>>) target(%arg9 : memref<64xi32, #tpu.memory_space<vmem>>) target_semaphore(%arg26 : memref<!tpu.dma_semaphore, #tpu.memory_space<semaphore_mem>>)
        %mul3A_243 = arith.constant 64 : i32
        %mul3A_244 = arith.muli %add3A_208, %mul3A_243 : i32
        %dma_start3A_245 = tpu.memref_slice %arg7[%mul3A_244] : memref<10240xi32, #tpu.memory_space<vmem>> -> memref<64xi32, #tpu.memory_space<vmem>>
        %dma_start3A_246 = arith.constant 0 : i32
        %dma_start3A_247 = arith.constant 0 : i32
        %dma_start3A_248 = tpu.memref_slice %arg2[%dma_start3A_246, %dma_start3A_247] : memref<10240x128xf32, #tpu.memory_space<hbm>> -> memref<10240x128xf32, #tpu.memory_space<hbm>>
        tpu.enqueue_indirect_dma source(%dma_start3A_248 : memref<10240x128xf32, #tpu.memory_space<hbm>>) target(%arg13 : memref<64x128xf32, #tpu.memory_space<vmem>>) offsets(%dma_start3A_245 : memref<64xi32, #tpu.memory_space<vmem>>) semaphore(%arg18 : memref<!tpu.dma_semaphore, #tpu.memory_space<semaphore_mem>>)
      } else {
      }
      %add3A_214 = arith.constant 2 : i32
      %add3A_215 = arith.addi %mul3A_126, %add3A_214 : i32
      %dma_wait3A_216 = arith.constant 0 : i32
      %dma_wait3A_217 = arith.constant 0 : i32
      %dma_wait3A_218 = tpu.memref_slice %arg16[%dma_wait3A_216, %dma_wait3A_217] : memref<10240x128xf32, #tpu.memory_space<vmem_shared>> -> memref<10240x128xf32, #tpu.memory_space<vmem_shared>>
      tpu.wait_indirect_dma semaphore(%arg23 : memref<!tpu.dma_semaphore, #tpu.memory_space<semaphore_mem>>) src(%arg14 : memref<64x128xf32, #tpu.memory_space<vmem>>) dst(%dma_wait3A_218 : memref<10240x128xf32, #tpu.memory_space<vmem_shared>>)
      %add3A_219 = arith.constant 4 : i32
      %add3A_220 = arith.addi %add3A_215, %add3A_219 : i32
      %lt3A_221 = arith.constant 160 : i32
      %lt3A_222 = arith.cmpi slt, %add3A_220, %lt3A_221 : i32
      %convert_element_type3A_223 = arith.extui %lt3A_222 : i1 to i32
      %cond3A_224 = arith.constant 0 : i32
      %cond3A_225 = arith.cmpi ne, %convert_element_type3A_223, %cond3A_224 : i32
      scf.if %cond3A_225 {
        %mul3A_238 = arith.constant 64 : i32
        %mul3A_239 = arith.muli %add3A_220, %mul3A_238 : i32
        %add3A_240 = arith.addi %mul3A_75, %mul3A_239 : i32
        %dma_start3A_241 = tpu.memref_slice %arg4[%add3A_240] : memref<327680xi32, #tpu.memory_space<hbm>> -> memref<64xi32, #tpu.memory_space<hbm>>
        %dma_start3A_242 = tpu.memref_slice %arg4[%add3A_240] : memref<327680xi32, #tpu.memory_space<hbm>> -> memref<64xi32, #tpu.memory_space<hbm>>
        tpu.enqueue_dma source(%dma_start3A_242 : memref<64xi32, #tpu.memory_space<hbm>>) target(%arg10 : memref<64xi32, #tpu.memory_space<vmem>>) target_semaphore(%arg27 : memref<!tpu.dma_semaphore, #tpu.memory_space<semaphore_mem>>)
        %mul3A_243 = arith.constant 64 : i32
        %mul3A_244 = arith.muli %add3A_220, %mul3A_243 : i32
        %dma_start3A_245 = tpu.memref_slice %arg7[%mul3A_244] : memref<10240xi32, #tpu.memory_space<vmem>> -> memref<64xi32, #tpu.memory_space<vmem>>
        %dma_start3A_246 = arith.constant 0 : i32
        %dma_start3A_247 = arith.constant 0 : i32
        %dma_start3A_248 = tpu.memref_slice %arg2[%dma_start3A_246, %dma_start3A_247] : memref<10240x128xf32, #tpu.memory_space<hbm>> -> memref<10240x128xf32, #tpu.memory_space<hbm>>
        tpu.enqueue_indirect_dma source(%dma_start3A_248 : memref<10240x128xf32, #tpu.memory_space<hbm>>) target(%arg14 : memref<64x128xf32, #tpu.memory_space<vmem>>) offsets(%dma_start3A_245 : memref<64xi32, #tpu.memory_space<vmem>>) semaphore(%arg19 : memref<!tpu.dma_semaphore, #tpu.memory_space<semaphore_mem>>)
      } else {
      }
      %add3A_226 = arith.constant 3 : i32
      %add3A_227 = arith.addi %mul3A_126, %add3A_226 : i32
      %dma_wait3A_228 = arith.constant 0 : i32
      %dma_wait3A_229 = arith.constant 0 : i32
      %dma_wait3A_230 = tpu.memref_slice %arg16[%dma_wait3A_228, %dma_wait3A_229] : memref<10240x128xf32, #tpu.memory_space<vmem_shared>> -> memref<10240x128xf32, #tpu.memory_space<vmem_shared>>
      tpu.wait_indirect_dma semaphore(%arg24 : memref<!tpu.dma_semaphore, #tpu.memory_space<semaphore_mem>>) src(%arg15 : memref<64x128xf32, #tpu.memory_space<vmem>>) dst(%dma_wait3A_230 : memref<10240x128xf32, #tpu.memory_space<vmem_shared>>)
      %add3A_231 = arith.constant 4 : i32
      %add3A_232 = arith.addi %add3A_227, %add3A_231 : i32
      %lt3A_233 = arith.constant 160 : i32
      %lt3A_234 = arith.cmpi slt, %add3A_232, %lt3A_233 : i32
      %convert_element_type3A_235 = arith.extui %lt3A_234 : i1 to i32
      %cond3A_236 = arith.constant 0 : i32
      %cond3A_237 = arith.cmpi ne, %convert_element_type3A_235, %cond3A_236 : i32
      scf.if %cond3A_237 {
        %mul3A_238 = arith.constant 64 : i32
        %mul3A_239 = arith.muli %add3A_232, %mul3A_238 : i32
        %add3A_240 = arith.addi %mul3A_75, %mul3A_239 : i32
        %dma_start3A_241 = tpu.memref_slice %arg4[%add3A_240] : memref<327680xi32, #tpu.memory_space<hbm>> -> memref<64xi32, #tpu.memory_space<hbm>>
        %dma_start3A_242 = tpu.memref_slice %arg4[%add3A_240] : memref<327680xi32, #tpu.memory_space<hbm>> -> memref<64xi32, #tpu.memory_space<hbm>>
        tpu.enqueue_dma source(%dma_start3A_242 : memref<64xi32, #tpu.memory_space<hbm>>) target(%arg11 : memref<64xi32, #tpu.memory_space<vmem>>) target_semaphore(%arg28 : memref<!tpu.dma_semaphore, #tpu.memory_space<semaphore_mem>>)
        %mul3A_243 = arith.constant 64 : i32
        %mul3A_244 = arith.muli %add3A_232, %mul3A_243 : i32
        %dma_start3A_245 = tpu.memref_slice %arg7[%mul3A_244] : memref<10240xi32, #tpu.memory_space<vmem>> -> memref<64xi32, #tpu.memory_space<vmem>>
        %dma_start3A_246 = arith.constant 0 : i32
        %dma_start3A_247 = arith.constant 0 : i32
        %dma_start3A_248 = tpu.memref_slice %arg2[%dma_start3A_246, %dma_start3A_247] : memref<10240x128xf32, #tpu.memory_space<hbm>> -> memref<10240x128xf32, #tpu.memory_space<hbm>>
        tpu.enqueue_indirect_dma source(%dma_start3A_248 : memref<10240x128xf32, #tpu.memory_space<hbm>>) target(%arg15 : memref<64x128xf32, #tpu.memory_space<vmem>>) offsets(%dma_start3A_245 : memref<64xi32, #tpu.memory_space<vmem>>) semaphore(%arg20 : memref<!tpu.dma_semaphore, #tpu.memory_space<semaphore_mem>>)
      } else {
      }
    }
    %scan3A_115 = arith.constant 40 : i32
    %barrier3A_116 = arith.constant 0 : index
    tpu.barrier barrier_id(%barrier3A_116)
    %mul3A_117 = arith.constant 640 : i32
    %mul3A_118 = arith.muli %arg1, %mul3A_117 : i32
    %mul3A_119 = arith.constant 10240 : i32
    %mul3A_120 = arith.muli %arg0, %mul3A_119 : i32
    %mul3A_121 = arith.constant 640 : i32
    %mul3A_122 = arith.muli %arg1, %mul3A_121 : i32
    %add3A_123 = arith.addi %mul3A_120, %mul3A_122 : i32
    "tpu.region"() ({
      %run_scoped3A = tpu.sem_alloc : memref<!tpu.dma_semaphore, #tpu.memory_space<semaphore_mem>>
      %dma_start3A_124 = arith.constant 0 : i32
      %dma_start3A_125 = tpu.memref_slice %arg6[%add3A_123, %dma_start3A_124] : memref<20480x128xf32, #tpu.memory_space<hbm>> -> memref<640x128xf32, #tpu.memory_space<hbm>>
      %dma_start3A_126 = arith.constant 0 : i32
      %dma_start3A_127 = tpu.memref_slice %arg16[%mul3A_118, %dma_start3A_126] : memref<10240x128xf32, #tpu.memory_space<vmem_shared>> -> memref<640x128xf32, #tpu.memory_space<vmem_shared>>
      tpu.enqueue_dma source(%dma_start3A_127 : memref<640x128xf32, #tpu.memory_space<vmem_shared>>) target(%dma_start3A_125 : memref<640x128xf32, #tpu.memory_space<hbm>>) target_semaphore(%run_scoped3A : memref<!tpu.dma_semaphore, #tpu.memory_space<semaphore_mem>>)
      %dma_wait3A = arith.constant 0 : i32
      %dma_wait3A_128 = tpu.memref_slice %arg6[%add3A_123, %dma_wait3A] : memref<20480x128xf32, #tpu.memory_space<hbm>> -> memref<640x128xf32, #tpu.memory_space<hbm>>
      %dma_wait3A_129 = arith.constant 0 : i32
      %dma_wait3A_130 = tpu.memref_slice %arg16[%mul3A_118, %dma_wait3A_129] : memref<10240x128xf32, #tpu.memory_space<vmem_shared>> -> memref<640x128xf32, #tpu.memory_space<vmem_shared>>
      tpu.wait_dma2 semaphore(%run_scoped3A : memref<!tpu.dma_semaphore, #tpu.memory_space<semaphore_mem>>) src(%dma_wait3A_130 : memref<640x128xf32, #tpu.memory_space<vmem_shared>>) dst(%dma_wait3A_128 : memref<640x128xf32, #tpu.memory_space<hbm>>)
      tpu.yield
    }) : () -> ()
    return
  }
}

module attributes {stable_mosaic.version = 14 : i64} {
  func.func @_z1_body(%arg0: i32, %arg1: memref<512x128xf32, #tpu.memory_space<vmem>>, %arg2: memref<128x128xf32, #tpu.memory_space<vmem>>, %arg3: memref<32x512xf32, #tpu.memory_space<vmem>>, %arg4: memref<512x128xf32, #tpu.memory_space<vmem>>) attributes {dimension_semantics = [#tpu.dimension_semantics<arbitrary>], iteration_bounds = array<i64: 20>, scalar_prefetch = 0 : i64, scratch_operands = 0 : i64, tpu.core_type = #tpu.core_type<tc>, window_params = [{transform_indices = @transform_0, window_bounds = array<i64: 512, 128>}, {pipeline_mode = #tpu.pipeline_mode<synchronous>, transform_indices = @transform_1, window_bounds = array<i64: 128, 128>}, {transform_indices = @transform_2, window_bounds = array<i64: 32, 512>}, {transform_indices = @transform_3, window_bounds = array<i64: 512, 128>}]} {
    %get3A = arith.constant 0 : index
    %get3A_0 = arith.constant 0 : index
    %get3A_1 = vector.load %arg3[%get3A, %get3A_0] : memref<32x512xf32, #tpu.memory_space<vmem>>, vector<32x512xf32>
    %reduce_sum3A = arith.constant dense<0.000000e+00> : vector<512xf32>
    %reduce_sum3A_2 = vector.multi_reduction <add>, %get3A_1, %reduce_sum3A [0] : vector<32x512xf32> to vector<512xf32>
    %broadcast_in_dim3A = vector.shape_cast %reduce_sum3A_2 : vector<512xf32> to vector<512x1xf32>
    %add3A = arith.constant 1.000000e+00 : f32
    %add3A_3 = vector.broadcast %add3A : f32 to vector<512x1xf32>
    %add3A_4 = arith.addf %broadcast_in_dim3A, %add3A_3 : vector<512x1xf32>
    %rsqrt3A = math.rsqrt %add3A_4 : vector<512x1xf32>
    %get3A_5 = arith.constant 0 : index
    %get3A_6 = arith.constant 0 : index
    %get3A_7 = vector.load %arg1[%get3A_5, %get3A_6] : memref<512x128xf32, #tpu.memory_space<vmem>>, vector<512x128xf32>
    %get3A_8 = arith.constant 0 : index
    %get3A_9 = arith.constant 0 : index
    %get3A_10 = vector.load %arg2[%get3A_8, %get3A_9] : memref<128x128xf32, #tpu.memory_space<vmem>>, vector<128x128xf32>
    %dot_general3A = arith.constant dense<0.000000e+00> : vector<512x128xf32>
    %dot_general3A_11 = tpu.matmul %get3A_7, %get3A_10, %dot_general3A {dimension_numbers = #tpu.dot_dimension_numbers<[1], [0], [0], [1], [0, 0, 1, 1], [], []>, transpose_lhs_hint = false} : vector<512x128xf32>, vector<128x128xf32>, vector<512x128xf32> -> vector<512x128xf32>
    %mul3A = vector.broadcast %rsqrt3A : vector<512x1xf32> to vector<512x128xf32>
    %mul3A_12 = arith.mulf %dot_general3A_11, %mul3A : vector<512x128xf32>
    %swap3A = arith.constant 0 : index
    %swap3A_13 = arith.constant 0 : index
    %swap3A_14 = vector.load %arg4[%swap3A, %swap3A_13] : memref<512x128xf32, #tpu.memory_space<vmem>>, vector<512x128xf32>
    tpu.vector_store %arg4[%swap3A, %swap3A_13], %mul3A_12 {strides = array<i32>} : memref<512x128xf32, #tpu.memory_space<vmem>>, vector<512x128xf32>,
    return
  }
  func.func @transform_0(%arg0: i32) -> (i32, i32) {
    %c0_i32 = arith.constant 0 : i32
    %c0_i32_0 = arith.constant 0 : i32
    return %arg0, %c0_i32 : i32, i32
  }
  func.func @transform_1(%arg0: i32) -> (i32, i32) {
    %c0_i32 = arith.constant 0 : i32
    %c0_i32_0 = arith.constant 0 : i32
    %c0_i32_1 = arith.constant 0 : i32
    return %c0_i32, %c0_i32_0 : i32, i32
  }
  func.func @transform_2(%arg0: i32) -> (i32, i32) {
    %c0_i32 = arith.constant 0 : i32
    %c0_i32_0 = arith.constant 0 : i32
    return %c0_i32, %arg0 : i32, i32
  }
  func.func @transform_3(%arg0: i32) -> (i32, i32) {
    %c0_i32 = arith.constant 0 : i32
    %c0_i32_0 = arith.constant 0 : i32
    return %arg0, %c0_i32 : i32, i32
  }
}

module attributes {stable_mosaic.version = 14 : i64} {
  func.func @_comb1_body(%arg0: i32, %arg1: memref<512x128xf32, #tpu.memory_space<vmem>>, %arg2: memref<512x128xf32, #tpu.memory_space<vmem>>, %arg3: memref<512x128xf32, #tpu.memory_space<vmem>>, %arg4: memref<32x512xf32, #tpu.memory_space<vmem>>, %arg5: memref<1x128xf32, #tpu.memory_space<vmem>>, %arg6: memref<128x128xf32, #tpu.memory_space<vmem>>, %arg7: memref<512x128xf32, #tpu.memory_space<vmem>>, %arg8: memref<512x128xf32, #tpu.memory_space<vmem>>) attributes {dimension_semantics = [#tpu.dimension_semantics<arbitrary>], iteration_bounds = array<i64: 20>, scalar_prefetch = 0 : i64, scratch_operands = 0 : i64, tpu.core_type = #tpu.core_type<tc>, window_params = [{transform_indices = @transform_0, window_bounds = array<i64: 512, 128>}, {transform_indices = @transform_1, window_bounds = array<i64: 512, 128>}, {transform_indices = @transform_2, window_bounds = array<i64: 512, 128>}, {transform_indices = @transform_3, window_bounds = array<i64: 32, 512>}, {pipeline_mode = #tpu.pipeline_mode<synchronous>, transform_indices = @transform_4, window_bounds = array<i64: 1, 128>}, {pipeline_mode = #tpu.pipeline_mode<synchronous>, transform_indices = @transform_5, window_bounds = array<i64: 128, 128>}, {transform_indices = @transform_6, window_bounds = array<i64: 512, 128>}, {transform_indices = @transform_7, window_bounds = array<i64: 512, 128>}]} {
    %get3A = arith.constant 0 : index
    %get3A_0 = arith.constant 0 : index
    %get3A_1 = vector.load %arg4[%get3A, %get3A_0] : memref<32x512xf32, #tpu.memory_space<vmem>>, vector<32x512xf32>
    %reduce_sum3A = arith.constant dense<0.000000e+00> : vector<512xf32>
    %reduce_sum3A_2 = vector.multi_reduction <add>, %get3A_1, %reduce_sum3A [0] : vector<32x512xf32> to vector<512xf32>
    %broadcast_in_dim3A = vector.shape_cast %reduce_sum3A_2 : vector<512xf32> to vector<512x1xf32>
    %add3A = arith.constant 1.000000e+00 : f32
    %add3A_3 = vector.broadcast %add3A : f32 to vector<512x1xf32>
    %add3A_4 = arith.addf %broadcast_in_dim3A, %add3A_3 : vector<512x1xf32>
    %rsqrt3A = math.rsqrt %add3A_4 : vector<512x1xf32>
    %get3A_5 = arith.constant 0 : index
    %get3A_6 = arith.constant 0 : index
    %get3A_7 = vector.load %arg1[%get3A_5, %get3A_6] : memref<512x128xf32, #tpu.memory_space<vmem>>, vector<512x128xf32>
    %get3A_8 = arith.constant 0 : index
    %get3A_9 = arith.constant 0 : index
    %get3A_10 = vector.load %arg2[%get3A_8, %get3A_9] : memref<512x128xf32, #tpu.memory_space<vmem>>, vector<512x128xf32>
    %add3A_11 = arith.addf %get3A_7, %get3A_10 : vector<512x128xf32>
    %get3A_12 = arith.constant 0 : index
    %get3A_13 = arith.constant 0 : index
    %get3A_14 = vector.load %arg3[%get3A_12, %get3A_13] : memref<512x128xf32, #tpu.memory_space<vmem>>, vector<512x128xf32>
    %add3A_15 = arith.addf %add3A_11, %get3A_14 : vector<512x128xf32>
    %mul3A = vector.broadcast %rsqrt3A : vector<512x1xf32> to vector<512x128xf32>
    %mul3A_16 = arith.mulf %mul3A, %add3A_15 : vector<512x128xf32>
    %get3A_17 = arith.constant 0 : index
    %get3A_18 = arith.constant 0 : index
    %get3A_19 = vector.load %arg5[%get3A_17, %get3A_18] : memref<1x128xf32, #tpu.memory_space<vmem>>, vector<1x128xf32>
    %add3A_20 = vector.broadcast %get3A_19 : vector<1x128xf32> to vector<512x128xf32>
    %add3A_21 = arith.addf %mul3A_16, %add3A_20 : vector<512x128xf32>
    %max3A = arith.constant 0.000000e+00 : f32
    %max3A_22 = vector.broadcast %max3A : f32 to vector<512x128xf32>
    %max3A_23 = arith.maximumf %add3A_21, %max3A_22 : vector<512x128xf32>
    %swap3A = arith.constant 0 : index
    %swap3A_24 = arith.constant 0 : index
    %swap3A_25 = vector.load %arg7[%swap3A, %swap3A_24] : memref<512x128xf32, #tpu.memory_space<vmem>>, vector<512x128xf32>
    tpu.vector_store %arg7[%swap3A, %swap3A_24], %max3A_23 {strides = array<i32>} : memref<512x128xf32, #tpu.memory_space<vmem>>, vector<512x128xf32>,
    %get3A_26 = arith.constant 0 : index
    %get3A_27 = arith.constant 0 : index
    %get3A_28 = vector.load %arg6[%get3A_26, %get3A_27] : memref<128x128xf32, #tpu.memory_space<vmem>>, vector<128x128xf32>
    %dot_general3A = arith.constant dense<0.000000e+00> : vector<512x128xf32>
    %dot_general3A_29 = tpu.matmul %max3A_23, %get3A_28, %dot_general3A {dimension_numbers = #tpu.dot_dimension_numbers<[1], [0], [0], [1], [0, 0, 1, 1], [], []>, transpose_lhs_hint = false} : vector<512x128xf32>, vector<128x128xf32>, vector<512x128xf32> -> vector<512x128xf32>
    %mul3A_30 = vector.broadcast %rsqrt3A : vector<512x1xf32> to vector<512x128xf32>
    %mul3A_31 = arith.mulf %mul3A_30, %dot_general3A_29 : vector<512x128xf32>
    %swap3A_32 = arith.constant 0 : index
    %swap3A_33 = arith.constant 0 : index
    %swap3A_34 = vector.load %arg8[%swap3A_32, %swap3A_33] : memref<512x128xf32, #tpu.memory_space<vmem>>, vector<512x128xf32>
    tpu.vector_store %arg8[%swap3A_32, %swap3A_33], %mul3A_31 {strides = array<i32>} : memref<512x128xf32, #tpu.memory_space<vmem>>, vector<512x128xf32>,
    return
  }
  func.func @transform_0(%arg0: i32) -> (i32, i32) {
    %c0_i32 = arith.constant 0 : i32
    %c0_i32_0 = arith.constant 0 : i32
    return %arg0, %c0_i32 : i32, i32
  }
  func.func @transform_1(%arg0: i32) -> (i32, i32) {
    %add3A = arith.constant 20 : i32
    %add3A_0 = arith.addi %arg0, %add3A : i32
    %c0_i32 = arith.constant 0 : i32
    %c0_i32_1 = arith.constant 0 : i32
    return %add3A_0, %c0_i32 : i32, i32
  }
  func.func @transform_2(%arg0: i32) -> (i32, i32) {
    %c0_i32 = arith.constant 0 : i32
    %c0_i32_0 = arith.constant 0 : i32
    return %arg0, %c0_i32 : i32, i32
  }
  func.func @transform_3(%arg0: i32) -> (i32, i32) {
    %c0_i32 = arith.constant 0 : i32
    %c0_i32_0 = arith.constant 0 : i32
    return %c0_i32, %arg0 : i32, i32
  }
  func.func @transform_4(%arg0: i32) -> (i32, i32) {
    %c0_i32 = arith.constant 0 : i32
    %c0_i32_0 = arith.constant 0 : i32
    %c0_i32_1 = arith.constant 0 : i32
    return %c0_i32, %c0_i32_0 : i32, i32
  }
  func.func @transform_5(%arg0: i32) -> (i32, i32) {
    %c0_i32 = arith.constant 0 : i32
    %c0_i32_0 = arith.constant 0 : i32
    %c0_i32_1 = arith.constant 0 : i32
    return %c0_i32, %c0_i32_0 : i32, i32
  }
  func.func @transform_6(%arg0: i32) -> (i32, i32) {
    %c0_i32 = arith.constant 0 : i32
    %c0_i32_0 = arith.constant 0 : i32
    return %arg0, %c0_i32 : i32, i32
  }
  func.func @transform_7(%arg0: i32) -> (i32, i32) {
    %c0_i32 = arith.constant 0 : i32
    %c0_i32_0 = arith.constant 0 : i32
    return %arg0, %c0_i32 : i32, i32
  }
}

module attributes {stable_mosaic.version = 14 : i64} {
  func.func @_comb2_body(%arg0: i32, %arg1: memref<512x128xf32, #tpu.memory_space<vmem>>, %arg2: memref<512x128xf32, #tpu.memory_space<vmem>>, %arg3: memref<512x128xf32, #tpu.memory_space<vmem>>, %arg4: memref<32x512xf32, #tpu.memory_space<vmem>>, %arg5: memref<1x128xf32, #tpu.memory_space<vmem>>, %arg6: memref<512x128xf32, #tpu.memory_space<vmem>>, %arg7: memref<256x128xf32, #tpu.memory_space<vmem>>, %arg8: memref<1x128xf32, #tpu.memory_space<vmem>>, %arg9: memref<512x128xf32, #tpu.memory_space<vmem>>) attributes {dimension_semantics = [#tpu.dimension_semantics<arbitrary>], iteration_bounds = array<i64: 20>, scalar_prefetch = 0 : i64, scratch_operands = 0 : i64, tpu.core_type = #tpu.core_type<tc>, window_params = [{transform_indices = @transform_0, window_bounds = array<i64: 512, 128>}, {transform_indices = @transform_1, window_bounds = array<i64: 512, 128>}, {transform_indices = @transform_2, window_bounds = array<i64: 512, 128>}, {transform_indices = @transform_3, window_bounds = array<i64: 32, 512>}, {pipeline_mode = #tpu.pipeline_mode<synchronous>, transform_indices = @transform_4, window_bounds = array<i64: 1, 128>}, {transform_indices = @transform_5, window_bounds = array<i64: 512, 128>}, {pipeline_mode = #tpu.pipeline_mode<synchronous>, transform_indices = @transform_6, window_bounds = array<i64: 256, 128>}, {pipeline_mode = #tpu.pipeline_mode<synchronous>, transform_indices = @transform_7, window_bounds = array<i64: 1, 128>}, {transform_indices = @transform_8, window_bounds = array<i64: 512, 128>}]} {
    %get3A = arith.constant 0 : index
    %get3A_0 = arith.constant 0 : index
    %get3A_1 = vector.load %arg4[%get3A, %get3A_0] : memref<32x512xf32, #tpu.memory_space<vmem>>, vector<32x512xf32>
    %reduce_sum3A = arith.constant dense<0.000000e+00> : vector<512xf32>
    %reduce_sum3A_2 = vector.multi_reduction <add>, %get3A_1, %reduce_sum3A [0] : vector<32x512xf32> to vector<512xf32>
    %broadcast_in_dim3A = vector.shape_cast %reduce_sum3A_2 : vector<512xf32> to vector<512x1xf32>
    %add3A = arith.constant 1.000000e+00 : f32
    %add3A_3 = vector.broadcast %add3A : f32 to vector<512x1xf32>
    %add3A_4 = arith.addf %broadcast_in_dim3A, %add3A_3 : vector<512x1xf32>
    %rsqrt3A = math.rsqrt %add3A_4 : vector<512x1xf32>
    %get3A_5 = arith.constant 0 : index
    %get3A_6 = arith.constant 0 : index
    %get3A_7 = vector.load %arg1[%get3A_5, %get3A_6] : memref<512x128xf32, #tpu.memory_space<vmem>>, vector<512x128xf32>
    %get3A_8 = arith.constant 0 : index
    %get3A_9 = arith.constant 0 : index
    %get3A_10 = vector.load %arg2[%get3A_8, %get3A_9] : memref<512x128xf32, #tpu.memory_space<vmem>>, vector<512x128xf32>
    %add3A_11 = arith.addf %get3A_7, %get3A_10 : vector<512x128xf32>
    %get3A_12 = arith.constant 0 : index
    %get3A_13 = arith.constant 0 : index
    %get3A_14 = vector.load %arg3[%get3A_12, %get3A_13] : memref<512x128xf32, #tpu.memory_space<vmem>>, vector<512x128xf32>
    %add3A_15 = arith.addf %add3A_11, %get3A_14 : vector<512x128xf32>
    %mul3A = vector.broadcast %rsqrt3A : vector<512x1xf32> to vector<512x128xf32>
    %mul3A_16 = arith.mulf %mul3A, %add3A_15 : vector<512x128xf32>
    %get3A_17 = arith.constant 0 : index
    %get3A_18 = arith.constant 0 : index
    %get3A_19 = vector.load %arg5[%get3A_17, %get3A_18] : memref<1x128xf32, #tpu.memory_space<vmem>>, vector<1x128xf32>
    %add3A_20 = vector.broadcast %get3A_19 : vector<1x128xf32> to vector<512x128xf32>
    %add3A_21 = arith.addf %mul3A_16, %add3A_20 : vector<512x128xf32>
    %max3A = arith.constant 0.000000e+00 : f32
    %max3A_22 = vector.broadcast %max3A : f32 to vector<512x128xf32>
    %max3A_23 = arith.maximumf %add3A_21, %max3A_22 : vector<512x128xf32>
    %get3A_24 = arith.constant 0 : index
    %get3A_25 = arith.constant 0 : index
    %get3A_26 = vector.load %arg6[%get3A_24, %get3A_25] : memref<512x128xf32, #tpu.memory_space<vmem>>, vector<512x128xf32>
    %get3A_27 = arith.constant 0 : index
    %get3A_28 = arith.constant 0 : index
    %get3A_29 = vector.load %arg7[%get3A_27, %get3A_28] : memref<256x128xf32, #tpu.memory_space<vmem>>, vector<128x128xf32>
    %dot_general3A = arith.constant dense<0.000000e+00> : vector<512x128xf32>
    %dot_general3A_30 = tpu.matmul %get3A_26, %get3A_29, %dot_general3A {dimension_numbers = #tpu.dot_dimension_numbers<[1], [0], [0], [1], [0, 0, 1, 1], [], []>, transpose_lhs_hint = false} : vector<512x128xf32>, vector<128x128xf32>, vector<512x128xf32> -> vector<512x128xf32>
    %get3A_31 = arith.constant 128 : index
    %get3A_32 = arith.constant 0 : index
    %get3A_33 = vector.load %arg7[%get3A_31, %get3A_32] : memref<256x128xf32, #tpu.memory_space<vmem>>, vector<128x128xf32>
    %dot_general3A_34 = arith.constant dense<0.000000e+00> : vector<512x128xf32>
    %dot_general3A_35 = tpu.matmul %max3A_23, %get3A_33, %dot_general3A_34 {dimension_numbers = #tpu.dot_dimension_numbers<[1], [0], [0], [1], [0, 0, 1, 1], [], []>, transpose_lhs_hint = false} : vector<512x128xf32>, vector<128x128xf32>, vector<512x128xf32> -> vector<512x128xf32>
    %add3A_36 = arith.addf %dot_general3A_30, %dot_general3A_35 : vector<512x128xf32>
    %get3A_37 = arith.constant 0 : index
    %get3A_38 = arith.constant 0 : index
    %get3A_39 = vector.load %arg8[%get3A_37, %get3A_38] : memref<1x128xf32, #tpu.memory_space<vmem>>, vector<1x128xf32>
    %add3A_40 = vector.broadcast %get3A_39 : vector<1x128xf32> to vector<512x128xf32>
    %add3A_41 = arith.addf %add3A_36, %add3A_40 : vector<512x128xf32>
    %reduce_max3A = arith.constant dense<0xFF800000> : vector<512xf32>
    %reduce_max3A_42 = vector.multi_reduction <maximumf>, %add3A_41, %reduce_max3A [1] : vector<512x128xf32> to vector<512xf32>
    %broadcast_in_dim3A_43 = vector.shape_cast %reduce_max3A_42 : vector<512xf32> to vector<512x1xf32>
    %sub3A = vector.broadcast %broadcast_in_dim3A_43 : vector<512x1xf32> to vector<512x128xf32>
    %sub3A_44 = arith.subf %add3A_41, %sub3A : vector<512x128xf32>
    %exp3A = math.exp %sub3A_44 : vector<512x128xf32>
    %reduce_sum3A_45 = arith.constant dense<0.000000e+00> : vector<512xf32>
    %reduce_sum3A_46 = vector.multi_reduction <add>, %exp3A, %reduce_sum3A_45 [1] : vector<512x128xf32> to vector<512xf32>
    %broadcast_in_dim3A_47 = vector.shape_cast %reduce_sum3A_46 : vector<512xf32> to vector<512x1xf32>
    %log3A = math.log %broadcast_in_dim3A_47 : vector<512x1xf32>
    %sub3A_48 = vector.broadcast %broadcast_in_dim3A_43 : vector<512x1xf32> to vector<512x128xf32>
    %sub3A_49 = arith.subf %add3A_41, %sub3A_48 : vector<512x128xf32>
    %sub3A_50 = vector.broadcast %log3A : vector<512x1xf32> to vector<512x128xf32>
    %sub3A_51 = arith.subf %sub3A_49, %sub3A_50 : vector<512x128xf32>
    %swap3A = arith.constant 0 : index
    %swap3A_52 = arith.constant 0 : index
    %swap3A_53 = vector.load %arg9[%swap3A, %swap3A_52] : memref<512x128xf32, #tpu.memory_space<vmem>>, vector<512x128xf32>
    tpu.vector_store %arg9[%swap3A, %swap3A_52], %sub3A_51 {strides = array<i32>} : memref<512x128xf32, #tpu.memory_space<vmem>>, vector<512x128xf32>,
    return
  }
  func.func @transform_0(%arg0: i32) -> (i32, i32) {
    %c0_i32 = arith.constant 0 : i32
    %c0_i32_0 = arith.constant 0 : i32
    return %arg0, %c0_i32 : i32, i32
  }
  func.func @transform_1(%arg0: i32) -> (i32, i32) {
    %add3A = arith.constant 20 : i32
    %add3A_0 = arith.addi %arg0, %add3A : i32
    %c0_i32 = arith.constant 0 : i32
    %c0_i32_1 = arith.constant 0 : i32
    return %add3A_0, %c0_i32 : i32, i32
  }
  func.func @transform_2(%arg0: i32) -> (i32, i32) {
    %c0_i32 = arith.constant 0 : i32
    %c0_i32_0 = arith.constant 0 : i32
    return %arg0, %c0_i32 : i32, i32
  }
  func.func @transform_3(%arg0: i32) -> (i32, i32) {
    %c0_i32 = arith.constant 0 : i32
    %c0_i32_0 = arith.constant 0 : i32
    return %c0_i32, %arg0 : i32, i32
  }
  func.func @transform_4(%arg0: i32) -> (i32, i32) {
    %c0_i32 = arith.constant 0 : i32
    %c0_i32_0 = arith.constant 0 : i32
    %c0_i32_1 = arith.constant 0 : i32
    return %c0_i32, %c0_i32_0 : i32, i32
  }
  func.func @transform_5(%arg0: i32) -> (i32, i32) {
    %c0_i32 = arith.constant 0 : i32
    %c0_i32_0 = arith.constant 0 : i32
    return %arg0, %c0_i32 : i32, i32
  }
  func.func @transform_6(%arg0: i32) -> (i32, i32) {
    %c0_i32 = arith.constant 0 : i32
    %c0_i32_0 = arith.constant 0 : i32
    %c0_i32_1 = arith.constant 0 : i32
    return %c0_i32, %c0_i32_0 : i32, i32
  }
  func.func @transform_7(%arg0: i32) -> (i32, i32) {
    %c0_i32 = arith.constant 0 : i32
    %c0_i32_0 = arith.constant 0 : i32
    %c0_i32_1 = arith.constant 0 : i32
    return %c0_i32, %c0_i32_0 : i32, i32
  }
  func.func @transform_8(%arg0: i32) -> (i32, i32) {
    %c0_i32 = arith.constant 0 : i32
    %c0_i32_0 = arith.constant 0 : i32
    return %arg0, %c0_i32 : i32, i32
  }
}

</mosaic_0001>

<sc_bundles>
// kernel: kernel.11.cloned.1.call-start
scs
__scs_entry_jumppad:
0x0: {  	(pc) =	sbr.rel $0x88, $3  }
0x1: {  	(tag) =	ssettag $0x0;
	lr =	simm.s32 $0x1  }
0x2: {  	[smem:$0x3F99] =	sst lr;
	_ =	strace $0xD0000000  }
0x3: {  	_ = 	snop  }
0x4: {  	_ = 	snop  }
0x5: {  	_ = 	snop  }
0x6: {  	_ = 	snop  }
0x7: {  	_ = 	snop  }
__scs_overlays_trampoline_lowered:
0x8: {  	[smem:$0x3FA8] =	sst s0  }
0x9: {  	[smem:$0x3FA9] =	sst s1  }
0xa: {  	[smem:$0x3FAA] =	sst s2  }
0xb: {  	[smem:$0x3FAB] =	sst s3  }
0xc: {  	[smem:$0x3FAC] =	sst s4  }
0xd: {  	[smem:$0x3FAD] =	sst s5  }
0xe: {  	[smem:$0x3FAE] =	sst s6  }
0xf: {  	[smem:$0x3FAF] =	sst s7  }
0x10: {  	[smem:$0x3FB0] =	sst s8  }
0x11: {  	[smem:$0x3FB1] =	sst s9;
	s0 =	simm.s32 @!p0 $0x0  }
0x12: {  	s1 =	sld [smem:$0x3F97];
	s0 =	simm.s32 @p0 $0x1  }
0x13: {  	[smem:$0x3FB2] =	sst s0;
	s0 =	simm.s32 @!p1 $0x0  }
0x14: {  	s2 =	sld [smem:$0x3F96];
	s0 =	simm.s32 @p1 $0x1  }
0x15: {  	[smem:$0x3FB3] =	sst s0;
	s0 =	simm.s32 @!p2 $0x0  }
0x16: {  	s3 =	sld [smem:$0x3FDB];
	s0 =	simm.s32 @p2 $0x1  }
0x17: {  	s4 =	simm.s32 $0x1BF5;
	[smem:$0x3FB5] =	sst s0  }
0x18: {  	s0 =	sld [smem:$0x3F98];
	_ =	swait.ge [sflag:s4], $0x0  }
0x19: {  	s7 =	sld [smem:$0x3F99]  }
0x1a: {  	s8 =	sadd.s32 $0xFFFFE003, lr  }
0x1b: {  	s9 =	sadd.s32 $0xFFFFFEF7, lr;
	s5 =	simm.s32 $0xFFFFFFFF;
	p2 =	slt.u32 s8, $0xFFFFF086  }
0x1c: {  	p1 =	slt.u32 s9, $0xF7A;
	s5 =	simm.s32 @!p2 $0x0  }
0x1d: {  	s5 =	simm.s32 @p1 $0x1;
	p0 =	seq.s32 s7, s2  }
0x1e: {  	s7 =	smul.u32 @!p0 $0xF7A, s2;
	p2 =	seq.s32 @!p0 s5, $0x0  }
0x1f: {  	s9 =	smul.u32 $0xF7A, s1;
	s8 =	simm.s32 @!p0 $0x1BF5;
	p2 =	por !p2, p0  }
0x20: {  	[sflag:s8] =	ssyncset.s32 @!p0 $0xFFFFF086;
	s6 =	sadd.s32 @!p0 s3, s7;
	s7 =	simm.s32 @!p0 $0x108  }
0x21: {  	s3 =	sadd.s32 s3, s9;
	s6 =	sadd.s32 @!p0 $0x88, s6;
	s7 =	simm.s32 @p2 $0x1082  }
0x22: {  	[simem:s7], [sflag:s8] =	dma.local @!p0 [hbm:s6], $0xF7A  }
0x23: {  	s9 =	sor.u32 $0xD0000000, s2;
	s6 =	simm.s32 $0x108;
	_ =	swait.ge @!p0 [sflag:s8], $0x0  }
0x24: {  	s3 =	sadd.s32 $0x88, s3;
	s6 =	simm.s32 @!p1 $0x1082;
	[sflag:s4] =	ssyncset.s32 $0xFFFFF086  }
0x25: {  	[simem:s6], [sflag:s4] =	dma.local [hbm:s3], $0xF7A  }
0x26: {  	[smem:$0x3F99] =	sst s1;
	(tag) =	ssettag s2;
	_ =	strace s9  }
0x27: {  	s1 =	sld [smem:$0x3FA9]  }
0x28: {  	s2 =	sld [smem:$0x3FAA]  }
0x29: {  	s4 =	sld [smem:$0x3FAC]  }
0x2a: {  	p0 =	seq.s32 s5, $0x0;
	s5 =	sld [smem:$0x3FAD]  }
0x2b: {  	s6 =	sld [smem:$0x3FAE]  }
0x2c: {  	s7 =	sld [smem:$0x3FAF]  }
0x2d: {  	s3 =	simm.s32 $0x108;
	s8 =	sld [smem:$0x3FB0]  }
0x2e: {  	s3 =	simm.s32 @!p0 $0x1082;
	s9 =	sld [smem:$0x3FB1]  }
0x2f: {  	lr =	sadd.s32 s0, s3;
	s0 =	sld [smem:$0x3FA8]  }
0x30: {  	s3 =	sld [smem:$0x3FAB]  }
0x31: {  	[smem:$0x3FB4] =	sst s10  }
0x32: {  	s10 =	sld [smem:$0x3FB2];
	_ =	sdelay $0x3  }
0x33: {  	p0 =	seq.s32 s10, $0x1;
	s10 =	sld [smem:$0x3FB4];
	_ =	sdelay $0x3  }
0x34: {  	[smem:$0x3FB4] =	sst s10  }
0x35: {  	s10 =	sld [smem:$0x3FB3];
	_ =	sdelay $0x3  }
0x36: {  	p1 =	seq.s32 s10, $0x1;
	s10 =	sld [smem:$0x3FB4];
	_ =	sdelay $0x3  }
0x37: {  	[smem:$0x3FB4] =	sst s10  }
0x38: {  	s10 =	sld [smem:$0x3FB5]  }
0x39: {  	_ = 	snop;
	(pc) =	sbr.ind lr, $3  }
0x3a: {  	_ = 	snop  }
0x3b: {  	_ = 	snop  }
0x3c: {  	p2 =	seq.s32 s10, $0x1;
	s10 =	sld [smem:$0x3FB4]  }
0x3d: {  	_ =	shalt  }
0x3e: {  	_ =	shalt  }
0x3f: {  	_ =	shalt  }
0x40: {  	_ =	shalt  }
0x41: {  	_ =	shalt  }
0x42: {  	_ =	shalt  }
0x43: {  	_ =	shalt  }
0x44: {  	_ =	shalt  }
0x45: {  	_ =	shalt  }
0x46: {  	_ =	shalt  }
0x47: {  	_ =	shalt  }
0x48: {  	_ =	shalt  }
0x49: {  	_ =	shalt  }
0x4a: {  	_ =	shalt  }
0x4b: {  	_ =	shalt  }
0x4c: {  	_ =	shalt  }
0x4d: {  	_ =	shalt  }
0x4e: {  	_ =	shalt  }
0x4f: {  	_ =	shalt  }
0x50: {  	_ =	shalt  }
0x51: {  	_ =	shalt  }
0x52: {  	_ =	shalt  }
0x53: {  	_ =	shalt  }
0x54: {  	_ =	shalt  }
0x55: {  	_ =	shalt  }
0x56: {  	_ =	shalt  }
0x57: {  	_ =	shalt  }
0x58: {  	_ =	shalt  }
0x59: {  	_ =	shalt  }
0x5a: {  	_ =	shalt  }
0x5b: {  	_ =	shalt  }
0x5c: {  	_ =	shalt  }
0x5d: {  	_ =	shalt  }
0x5e: {  	_ =	shalt  }
0x5f: {  	_ =	shalt  }
0x60: {  	_ =	shalt  }
0x61: {  	_ =	shalt  }
0x62: {  	_ =	shalt  }
0x63: {  	_ =	shalt  }
0x64: {  	_ =	shalt  }
0x65: {  	_ =	shalt  }
0x66: {  	_ =	shalt  }
0x67: {  	_ =	shalt  }
0x68: {  	_ =	shalt  }
0x69: {  	_ =	shalt  }
0x6a: {  	_ =	shalt  }
0x6b: {  	_ =	shalt  }
0x6c: {  	_ =	shalt  }
0x6d: {  	_ =	shalt  }
0x6e: {  	_ =	shalt  }
0x6f: {  	_ =	shalt  }
0x70: {  	_ =	shalt  }
0x71: {  	_ =	shalt  }
0x72: {  	_ =	shalt  }
0x73: {  	_ =	shalt  }
0x74: {  	_ =	shalt  }
0x75: {  	_ =	shalt  }
0x76: {  	_ =	shalt  }
0x77: {  	_ =	shalt  }
0x78: {  	_ =	shalt  }
0x79: {  	_ =	shalt  }
0x7a: {  	_ =	shalt  }
0x7b: {  	_ =	shalt  }
0x7c: {  	_ =	shalt  }
0x7d: {  	_ =	shalt  }
0x7e: {  	_ =	shalt  }
0x7f: {  	_ =	shalt  }
0x80: {  	_ =	shalt  }
0x81: {  	_ =	shalt  }
0x82: {  	_ =	shalt  }
0x83: {  	_ =	shalt  }
0x84: {  	_ =	shalt  }
0x85: {  	_ =	shalt  }
0x86: {  	_ =	shalt  }
0x87: {  	_ =	shalt  }
.Lfunc_end0:
.L_simem_size_0:
called_computation.1_lowered:
.L_overlay_start_0:
0x88: {  	s2 =	sld [smem:$0x3FD9]  }
0x89: {  	s3 =	sld [smem:$0x3FFE];
	_ =	sdelay $0x1  }
0x8a: {  	s1 =	srdreg.scid  }
0x8b: {  	s0 =	sand.u32 $0x1, s1  }
0x8c: {  	s17 =	sshll.u32 s0, $0xA;
	s2 =	sadd.s32 s3, s2  }
0x8d: {  	s2 =	sadd.s32 s2, s17  }
0x8e: {  	[smem:$0x3FC0] =	sst s2  }
0x8f: {  	_ = 	snop  }
0x90: {  	s2 =	sld [smem:$0x3FD0];
	(tm) =	ssettm $0x1  }
0x91: {  	s18 =	sld [smem:$0x3FFB];
	_ =	sdelay $0x3  }
0x92: {  	_ =	strace s18  }
0x93: {  	s3 =	sld [smem:$0x3FFC];
	_ =	sdelay $0x3  }
0x94: {  	_ =	strace s3  }
0x95: {  	s3 =	sld [smem:$0x3FFD];
	_ =	sdelay $0x3  }
0x96: {  	_ =	strace s3  }
0x97: {  	_ =	strace $0x8FFFFFFF  }
0x98: {  	s19 =	sld [smem:$0x3FDB];
	_ =	sdelay $0x1  }
0x99: {  	s4 =	simm.s32 $_scs_section_size  }
0x9a: {  	s5 =	simm.s32 $_size__tile_overlayer_lowered;
	s6 =	simm.s32 $_tile_overlayer_lowered  }
0x9b: {  	s22 =	simm.s32 $0x1BFF;
	s21 =	sshll.u32 s6, $0x1;
	s3 =	sadd.s32 s4, s19  }
0x9c: {  	s7 =	simm.s32 $0x0;
	s20 =	sshll.u32 s5, $0x1;
	s5 =	sadd.s32 s21, s3  }
0x9d: {  	[timem:s7], [sflag:s22] =	dma.local [hbm:s5], s20  }
0x9e: {  	_ =	swait.ge [sflag:s22], s20  }
0x9f: {  	s4 =	ssub.s32 $0x0, s20;
	[sflag:s22] =	ssyncset.done $0x0  }
0xa0: {  	[sflag:s22] =	ssyncadd.s32 s4;
	_ =	sdelay $0x1  }
0xa1: {  	s23 =	simm.s32 $0x1B8B  }
0xa2: {  	_ =	swait.ge [sflag:s23], $0x1  }
0xa3: {  	[sflag:s23] =	ssyncset.done $0x0  }
0xa4: {  	s25 =	simm.s32 $0x1B8E;
	s24 =	sld [smem:$0x3FFE];
	[sflag:s23] =	ssyncadd.s32 $0xFFFFFFFF  }
0xa5: {  	s26 =	simm.s32 $execute0_lowered;
	[smem:$0x3FD2] =	sst s25  }
0xa6: {  	s5 =	sshll.u32 s26, $0x1;
	_ =	strace $0x80000049;
	[dreg:$0x1] =	wrdreg $0xFFFFFFFF  }
0xa7: {  	s28 =	simm.s32 $_size_execute0_lowered;
	s3 =	sadd.s32 s3, s5;
	[dreg:$0x0] =	wrdreg $0x0  }
0xa8: {  	s5 =	sshll.u32 s28, $0x1;
	[dreg:$0x2] =	wrdreg s3  }
0xa9: {  	[dreg:$0x3] =	wrdreg s5  }
0xaa: {  	[dreg:$0x4] =	wrdreg $0xC0  }
0xab: {  	_ =	task [dreg:s7], $0x5FFFF  }
0xac: {  	[dreg:$0x1] =	wrdreg $0xFFFFFFFF  }
0xad: {  	[dreg:$0x0] =	wrdreg $0x60  }
0xae: {  	[dreg:$0x2] =	wrdreg s24  }
0xaf: {  	[dreg:$0x3] =	wrdreg s2  }
0xb0: {  	[dreg:$0x4] =	wrdreg $0xAA000  }
0xb1: {  	[dreg:$0x5] =	wrdreg $0x9  }
0xb2: {  	_ =	task.clear_ibuf [dreg:s7], $0x6FFFF;
	_ =	strace $0x90000049  }
0xb3: {  	s29 =	simm.s32 $0x9;
	_ =	strace $0x8000004B  }
0xb4: {  	_ =	swait.ge [sflag:s29], $0x1  }
0xb5: {  	[sflag:s29] =	ssyncadd.s32 $0xFFFFFFFF  }
0xb6: {  	_ =	strace $0x9000004B  }
0xb7: {  	_ =	sfence  }
0xb8: {  	s30 =	sld [smem:$0x0];
	_ =	sdelay $0x2  }
0xb9: {  	s31 =	sshll.u32 s1, $0xD;
	s1 =	sshrl.u32 s1, $0x2  }
0xba: {  	s3 =	sand.u32 $0x4000, s31;
	s1 =	sadd.s32 s1, s30  }
0xbb: {  	s0 =	sor.u32 s3, s0;
	s1 =	sshll.u32 s1, $0x11  }
0xbc: {  	s0 =	sor.u32 s1, s0  }
0xbd: {  	s0 =	sadd.s32 $0x8F2B, s0  }
0xbe: {  	[sflag:s0] =	ssyncadd.remote.s32 $0x1  }
0xbf: {  	_ =	sfence.sel $0xFFFF  }
0xc0: {  	[dreg:$0x0] =	wrdreg $0xFFFFFFFF;
	(pc) =	sbr.abs _section_cstart, $3  }
0xc1: {  	[dreg:$0x1] =	wrdreg $0xFFFFFFFF  }
0xc2: {  	_ =	task.clear_ibuf [dreg:s7], $0x2FFFF;
	_ =	strace $0x9FFFFFFF  }
0xc3: {  	(tm) =	ssettm $0x7FFFFFFF  }
tec
execute0_lowered:
.L_overlay_start_1:
0x0: {  	(tag) =	ssettag $0x1  }
0x1: {  	s0 =	rddreg [dreg:$0x0]  }
0x2: {  	s1 =	srdreg.scid;
	s5 =	rddreg [dreg:$0x1]  }
0x3: {  	s2 =	rddreg [dreg:$0x2];
	s11 =	stileid.u32  }
0x4: {  	s3 =	simm.s32 $0x0;
	s29 =	simm.s32 $0x2A00;
	s31 =	simm.s32 $0x2800  }
0x5: {  	s1 =	sand.u32 $0x1, s1;
	[smem:$0x7FF] =	sst s3;
	s8 =	smul.u32 $0x2800, s11  }
0x6: {  	s10 =	sadd.s32 $0x34C00, s0;
	s23 =	sshll.u32 s11, $0xD;
	s15 =	smul.u32 $0x50000, s11  }
0x7: {  	s4 =	sshll.u32 s1, $0x4;
	_ =	strace $0x8000004A;
	s7 =	smul.u32 $0x28000, s1  }
0x8: {  	[dreg:$0x4] =	wrdreg s10;
	s1 =	ssub.s32 $0x2, s1;
	s10 =	sadd.s32 s23, s2  }
0x9: {  	s4 =	sor.u32 s11, s4;
	s24 =	sadd.s32 $0x20000, s10;
	[dreg:$0x5] =	wrdreg s10  }
0xa: {  	s22 =	sshrl.u32 s1, $0x1;
	s25 =	sadd.s32 $0x40000, s10;
	[dreg:$0x6] =	wrdreg s24  }
0xb: {  	s26 =	sadd.s32 $0x60000, s10;
	s28 =	sadd.s32 $0x80000, s10;
	[dreg:$0x7] =	wrdreg s25  }
0xc: {  	s30 =	sadd.s32 $0xA0000, s10;
	s12 =	sadd.s32 $0xC0000, s10;
	[dreg:$0x8] =	wrdreg s26  }
0xd: {  	s13 =	sadd.s32 $0xE0000, s10;
	s14 =	sadd.s32 $0x100000, s10;
	[dreg:$0x9] =	wrdreg s28  }
0xe: {  	s10 =	sadd.s32 $0x120000, s10;
	s18 =	sshrl.u32 s15, $0x2;
	[dreg:$0xa] =	wrdreg s30  }
0xf: {  	s11 =	simm.s32 $0x9;
	s15 =	simm.s32 $0xB;
	[dreg:$0xb] =	wrdreg s12  }
0x10: {  	s6 =	smul.u32 $0x2800, s4;
	s4 =	sadd.s32 $0xCC00, s0;
	[dreg:$0xc] =	wrdreg s13  }
0x11: {  	s7 =	sadd.s32 s8, s7;
	s1 =	ssub.s32 s1, s22;
	[dreg:$0xd] =	wrdreg s14  }
0x12: {  	[dreg:$0xe] =	wrdreg s10;
	s24 =	sadd.s32 s18, s2;
	s10 =	simm.s32 $0x8A00  }
0x13: {  	s12 =	simm.s32 $0x1;
	s13 =	simm.s32 $0xA;
	s14 =	simm.s32 $0x2  }
0x14: {  	s18 =	simm.s32 $0xC;
	s16 =	sor.u32 $0x100, s7;
	s20 =	sor.u32 $0x140, s7  }
0x15: {  	s21 =	sor.u32 $0x180, s7;
	s25 =	smax.u32 s1, $0x1;
	s26 =	sshrl.u32 s24, $0x3  }
0x16: {  	s1 =	simm.s32 $0x2880;
	s24 =	simm.s32 $0x0;
	[dreg:$0x17] =	wrdreg s25  }
0x17: {  	s6 =	sshrl.u32 s6, $0x3;
	s19 =	sshrl.u32 s16, $0x3;
	[dreg:$0x18] =	wrdreg s26  }
0x18: {  	s16 =	simm.s32 $0x3;
	s9 =	sadd.s32 s6, s0;
	s0 =	sadd.s32 s7, s0  }
0x19: {  	s17 =	sadd.s32 s5, s6;
	s8 =	sadd.s32 s19, s5;
	s7 =	sor.u32 $0x1C0, s7  }
0x1a: {  	s19 =	simm.s32 $0x4;
	s9 =	sadd.s32 $0x2C00, s9;
	[dreg:$0x11] =	wrdreg s8  }
0x1b: {  	s8 =	sshrl.u32 s20, $0x3;
	s7 =	sshrl.u32 s7, $0x3;
	[dreg:$0x10] =	wrdreg s17  }
0x1c: {  	s23 =	sadd.s32 $0x8, s17;
	s0 =	sadd.s32 $0x35000, s0;
	[dreg:$0xf] =	wrdreg s9  }
0x1d: {  	s28 =	sadd.s32 $0x10, s17;
	s30 =	sadd.s32 $0x18, s17;
	[dreg:$0x15] =	wrdreg s23  }
0x1e: {  	s17 =	simm.s32 $0xD;
	s20 =	simm.s32 $0x5;
	[dreg:$0x16] =	wrdreg s0  }
0x1f: {  	s9 =	sshrl.u32 s21, $0x3;
	s8 =	sadd.s32 s8, s5;
	[dreg:$0x19] =	wrdreg s28  }
.Ltmp0:
0x20: {  	[dreg:$0x1a] =	wrdreg s30;
	s0 =	simm.s32 $0x40;
	(pc) =	sbr.rel .LBB2_1-.Ltmp0, $4  }
0x21: {  	s21 =	simm.s32 $0x7;
	s23 =	simm.s32 $0x8;
	[dreg:$0x12] =	wrdreg s8  }
0x22: {  	s22 =	sadd.s32 s9, s5;
	s5 =	sadd.s32 s7, s5;
	s7 =	simm.s32 $0x2900  }
0x23: {  	s8 =	simm.s32 $0x6A00;
	s9 =	simm.s32 $0x2980;
	[dreg:$0x13] =	wrdreg s22  }
0x24: {  	[dreg:$0x14] =	wrdreg s5;
	s5 =	simm.s32 $0x4A00;
	s22 =	simm.s32 $0x6  }
.LBB2_4:
0x25: {  	_ =	swait.ge [sflag:s22], $0x2000  }
0x26: {  	[sflag:s22] =	ssyncset.done $0x0  }
0x27: {  	[sflag:s22] =	ssyncadd.s32 $0xFFFFE000  }
0x28: {  	_ =	swait.ge [sflag:s21], $0x2000  }
0x29: {  	[sflag:s21] =	ssyncset.done $0x0  }
0x2a: {  	[sflag:s21] =	ssyncadd.s32 $0xFFFFE000  }
0x2b: {  	_ =	swait.ge [sflag:s23], $0x2000  }
0x2c: {  	[sflag:s23] =	ssyncset.done $0x0  }
0x2d: {  	[sflag:s23] =	ssyncadd.s32 $0xFFFFE000  }
0x2e: {  	s6 =	stileid.u32;
	[bflag:$0x0] =	sbarrier.arrive $0xFFFF  }
0x2f: {  	s6 =	sshll.u32 s6, $0x6;
	s17 =	rddreg [dreg:$0x16]  }
0x30: {  	s6 =	sor.u32 $0x1C0D, s6;
	s24 =	rddreg [dreg:$0x18]  }
0x31: {  	[hbm:s17], [sflag:s6] =	dma.local [spmem:s24], $0x2800  }
0x32: {  	s17 =	simm.s32 $0xD  }
0x33: {  	_ =	swait.ge [sflag:s17], $0x2800  }
0x34: {  	s28 =	rddreg [dreg:$0x1b]  }
0x35: {  	s30 =	rddreg [dreg:$0x17];
	s24 =	sadd.s32 $0x1, s28  }
0x36: {  	p0 =	sne.s32 s24, s30  }
.Ltmp1:
0x37: {  	_ = 	snop;
	(pc) =	sbr.rel @!p0 .LBB2_5-.Ltmp1, $3  }
0x38: {  	_ =	sdelay $0x1  }
0x39: {  	[sflag:s17] =	ssyncset.done $0x0  }
0x3a: {  	[sflag:s17] =	ssyncadd.s32 $0xFFFFD800  }
.LBB2_1:
0x3b: {  	[dreg:$0x1b] =	wrdreg s24  }
0x3c: {  	s6 =	rddreg [dreg:$0x4]  }
0x3d: {  	[tilespmem:s29], [sflag:$0xD] =	stream.linear.gather [hbm4b:s6+s3], $0x2000, $0x38;
	[tilespmem:$0x1EA00] =	vst v63  }
0x3e: {  	_ =	swait.ge [sflag:s17], $0x2000  }
0x3f: {  	[sflag:s17] =	ssyncset.done $0x0  }
0x40: {  	s24 =	rddreg [dreg:$0x5];
	[sflag:s17] =	ssyncadd.s32 $0xFFFFE000  }
0x41: {  	[spmem:s24] =	stream.linear.scatter [tilespmem:s29], [sflag:$0xD], $0x2000, $0x38;
	[tilespmem:$0x1EA00] =	vst v63  }
0x42: {  	_ =	swait.ge [sflag:s17], $0x2000  }
0x43: {  	[sflag:s17] =	ssyncset.done $0x0  }
0x44: {  	s25 =	rddreg [dreg:$0x6];
	[sflag:s17] =	ssyncadd.s32 $0xFFFFE000  }
0x45: {  	[spmem:s25] =	stream.linear.scatter [tilespmem:s29], [sflag:$0xD], $0x2000, $0x38;
	[tilespmem:$0x1EA00] =	vst v63  }
0x46: {  	_ =	swait.ge [sflag:s17], $0x2000  }
0x47: {  	[sflag:s17] =	ssyncset.done $0x0  }
0x48: {  	s26 =	rddreg [dreg:$0x7];
	[sflag:s17] =	ssyncadd.s32 $0xFFFFE000  }
0x49: {  	[spmem:s26] =	stream.linear.scatter [tilespmem:s29], [sflag:$0xD], $0x2000, $0x38;
	[tilespmem:$0x1EA00] =	vst v63  }
0x4a: {  	_ =	swait.ge [sflag:s17], $0x2000  }
0x4b: {  	[sflag:s17] =	ssyncset.done $0x0  }
0x4c: {  	s30 =	rddreg [dreg:$0x8];
	[sflag:s17] =	ssyncadd.s32 $0xFFFFE000  }
0x4d: {  	[spmem:s30] =	stream.linear.scatter [tilespmem:s29], [sflag:$0xD], $0x2000, $0x38;
	[tilespmem:$0x1EA00] =	vst v63  }
0x4e: {  	_ =	swait.ge [sflag:s17], $0x2000  }
0x4f: {  	[sflag:s17] =	ssyncset.done $0x0  }
0x50: {  	s24 =	rddreg [dreg:$0x9];
	[sflag:s17] =	ssyncadd.s32 $0xFFFFE000  }
0x51: {  	[spmem:s24] =	stream.linear.scatter [tilespmem:s29], [sflag:$0xD], $0x2000, $0x38;
	[tilespmem:$0x1EA00] =	vst v63  }
0x52: {  	_ =	swait.ge [sflag:s17], $0x2000  }
0x53: {  	[sflag:s17] =	ssyncset.done $0x0  }
0x54: {  	s25 =	rddreg [dreg:$0xa];
	[sflag:s17] =	ssyncadd.s32 $0xFFFFE000  }
0x55: {  	[spmem:s25] =	stream.linear.scatter [tilespmem:s29], [sflag:$0xD], $0x2000, $0x38;
	[tilespmem:$0x1EA00] =	vst v63  }
0x56: {  	_ =	swait.ge [sflag:s17], $0x2000  }
0x57: {  	[sflag:s17] =	ssyncset.done $0x0  }
0x58: {  	s26 =	rddreg [dreg:$0xb];
	[sflag:s17] =	ssyncadd.s32 $0xFFFFE000  }
0x59: {  	[spmem:s26] =	stream.linear.scatter [tilespmem:s29], [sflag:$0xD], $0x2000, $0x38;
	[tilespmem:$0x1EA00] =	vst v63  }
0x5a: {  	_ =	swait.ge [sflag:s17], $0x2000  }
0x5b: {  	[sflag:s17] =	ssyncset.done $0x0  }
0x5c: {  	s30 =	rddreg [dreg:$0xc];
	[sflag:s17] =	ssyncadd.s32 $0xFFFFE000  }
0x5d: {  	[spmem:s30] =	stream.linear.scatter [tilespmem:s29], [sflag:$0xD], $0x2000, $0x38;
	[tilespmem:$0x1EA00] =	vst v63  }
0x5e: {  	_ =	swait.ge [sflag:s17], $0x2000  }
0x5f: {  	[sflag:s17] =	ssyncset.done $0x0  }
0x60: {  	s24 =	rddreg [dreg:$0xd];
	[sflag:s17] =	ssyncadd.s32 $0xFFFFE000  }
0x61: {  	[spmem:s24] =	stream.linear.scatter [tilespmem:s29], [sflag:$0xD], $0x2000, $0x38;
	[tilespmem:$0x1EA00] =	vst v63  }
0x62: {  	_ =	swait.ge [sflag:s17], $0x2000  }
0x63: {  	[sflag:s17] =	ssyncset.done $0x0  }
0x64: {  	s25 =	rddreg [dreg:$0xe];
	[sflag:s17] =	ssyncadd.s32 $0xFFFFE000  }
0x65: {  	[spmem:s25] =	stream.linear.scatter [tilespmem:s29], [sflag:$0xD], $0x2000, $0x38;
	[tilespmem:$0x1EA00] =	vst v63  }
0x66: {  	_ =	swait.ge [sflag:s17], $0x2000  }
0x67: {  	[sflag:s17] =	ssyncset.done $0x0  }
0x68: {  	s26 =	rddreg [dreg:$0xf];
	[sflag:s17] =	ssyncadd.s32 $0xFFFFE000  }
0x69: {  	[tilespmem:s3], [sflag:$0xD] =	stream.linear.gather [hbm4b:s26+s3], $0x2800, $0x38;
	[tilespmem:$0x1EA00] =	vst v63  }
0x6a: {  	_ =	swait.ge [sflag:s17], $0x2800  }
0x6b: {  	[sflag:s17] =	ssyncset.done $0x0  }
0x6c: {  	[sflag:s17] =	ssyncadd.s32 $0xFFFFD800  }
0x6d: {  	[bflag:$0x0] =	sbarrier.arrive $0xFFFF  }
0x6e: {  	s30 =	rddreg [dreg:$0x10]  }
0x6f: {  	[tilespmem:s31], [sflag:$0x9] =	stream.linear.gather [hbm4b:s30+s3], $0x40, $0x38;
	[tilespmem:$0x1EA00] =	vst v63  }
0x70: {  	s17 =	rddreg [dreg:$0x15]  }
0x71: {  	[tilespmem:s29], [sflag:$0x1] =	stream.indirect.gather [hbm4b:s4+s0], $0x80, s3, s0, $0xb8;
	[tilespmem:$0x1EA00] =	vst v63  }
0x72: {  	s24 =	rddreg [dreg:$0x19]  }
0x73: {  	[tilespmem:s1], [sflag:$0xA] =	stream.linear.gather [hbm4b:s17+s3], $0x40, $0x38;
	[tilespmem:$0x1EA00] =	vst v63  }
0x74: {  	s26 =	rddreg [dreg:$0x1a]  }
0x75: {  	[tilespmem:s5], [sflag:$0x2] =	stream.indirect.gather [hbm4b:s4+s0], $0x80, s0, s0, $0xb8;
	[tilespmem:$0x1EA00] =	vst v63  }
0x76: {  	s28 =	rddreg [dreg:$0x11]  }
0x77: {  	[tilespmem:s7], [sflag:$0xB] =	stream.linear.gather [hbm4b:s24+s3], $0x40, $0x38;
	[tilespmem:$0x1EA00] =	vst v63  }
0x78: {  	s25 =	simm.s32 $0x80;
	s17 =	rddreg [dreg:$0x12]  }
0x79: {  	[tilespmem:s8], [sflag:$0x3] =	stream.indirect.gather [hbm4b:s4+s0], $0x80, s25, s0, $0xb8;
	[tilespmem:$0x1EA00] =	vst v63  }
0x7a: {  	s25 =	rddreg [dreg:$0x14]  }
0x7b: {  	[tilespmem:s9], [sflag:$0xC] =	stream.linear.gather [hbm4b:s26+s3], $0x40, $0x38;
	[tilespmem:$0x1EA00] =	vst v63  }
0x7c: {  	s6 =	simm.s32 $0x0;
	s30 =	simm.s32 $0xC0;
	s26 =	rddreg [dreg:$0x13]  }
0x7d: {  	[tilespmem:s10], [sflag:$0x4] =	stream.indirect.gather [hbm4b:s4+s0], $0x80, s30, s0, $0xb8;
	[tilespmem:$0x1EA00] =	vst v63  }
.LBB2_2:
0x7e: {  	_ =	swait.ge [sflag:s11], $0x40  }
0x7f: {  	[sflag:s11] =	ssyncset.done $0x0  }
0x80: {  	[sflag:s11] =	ssyncadd.s32 $0xFFFFFFC0  }
0x81: {  	_ =	swait.ge [sflag:s12], $0x2000  }
0x82: {  	[sflag:s12] =	ssyncset.done $0x0  }
0x83: {  	[sflag:s12] =	ssyncadd.s32 $0xFFFFE000  }
0x84: {  	[spmem:s2] =	stream.indirect.scatter.add.f32 [tilespmem:s29], [sflag:$0x5], $0x80, s31, s0, $0xb8;
	[tilespmem:$0x1EA00] =	vst v63  }
0x85: {  	_ =	swait.ge [sflag:s13], $0x40  }
0x86: {  	[sflag:s13] =	ssyncset.done $0x0  }
0x87: {  	[sflag:s13] =	ssyncadd.s32 $0xFFFFFFC0  }
0x88: {  	_ =	swait.ge [sflag:s14], $0x2000  }
0x89: {  	[sflag:s14] =	ssyncset.done $0x0  }
0x8a: {  	[sflag:s14] =	ssyncadd.s32 $0xFFFFE000  }
0x8b: {  	[spmem:s2] =	stream.indirect.scatter.add.f32 [tilespmem:s5], [sflag:$0x6], $0x80, s1, s0, $0xb8;
	[tilespmem:$0x1EA00] =	vst v63  }
0x8c: {  	_ =	swait.ge [sflag:s15], $0x40  }
0x8d: {  	[sflag:s15] =	ssyncset.done $0x0  }
0x8e: {  	[sflag:s15] =	ssyncadd.s32 $0xFFFFFFC0  }
0x8f: {  	_ =	swait.ge [sflag:s16], $0x2000  }
0x90: {  	[sflag:s16] =	ssyncset.done $0x0  }
0x91: {  	[sflag:s16] =	ssyncadd.s32 $0xFFFFE000  }
0x92: {  	[spmem:s2] =	stream.indirect.scatter.add.f32 [tilespmem:s8], [sflag:$0x7], $0x80, s7, s0, $0xb8;
	[tilespmem:$0x1EA00] =	vst v63  }
0x93: {  	_ =	swait.ge [sflag:s18], $0x40  }
0x94: {  	[sflag:s18] =	ssyncset.done $0x0  }
0x95: {  	[sflag:s18] =	ssyncadd.s32 $0xFFFFFFC0  }
0x96: {  	_ =	swait.ge [sflag:s19], $0x2000  }
0x97: {  	p0 =	seq.s32 s6, $0x9C00;
	[sflag:s19] =	ssyncset.done $0x0  }
.Ltmp2:
0x98: {  	[sflag:s19] =	ssyncadd.s32 $0xFFFFE000;
	(pc) =	sbr.rel @p0 .LBB2_4-.Ltmp2, $4  }
0x99: {  	[spmem:s2] =	stream.indirect.scatter.add.f32 [tilespmem:s10], [sflag:$0x8], $0x80, s9, s0, $0xb8;
	[tilespmem:$0x1EA00] =	vst v63  }
0x9a: {  	_ =	swait.ge [sflag:s20], $0x2000  }
0x9b: {  	[sflag:s20] =	ssyncset.done $0x0  }
0x9c: {  	[sflag:s20] =	ssyncadd.s32 $0xFFFFE000  }
0x9d: {  	[tilespmem:s31], [sflag:$0x9] =	stream.linear.gather [hbm4b:s28+s3], $0x40, $0x38;
	[tilespmem:$0x1EA00] =	vst v63  }
0x9e: {  	s24 =	sshra.s32 s6, $0x2  }
0x9f: {  	s30 =	sadd.s32 $0x100, s24  }
0xa0: {  	[tilespmem:s29], [sflag:$0x1] =	stream.indirect.gather [hbm4b:s4+s0], $0x80, s30, s0, $0xb8;
	[tilespmem:$0x1EA00] =	vst v63  }
0xa1: {  	_ =	swait.ge [sflag:s22], $0x2000  }
0xa2: {  	[sflag:s22] =	ssyncset.done $0x0  }
0xa3: {  	[sflag:s22] =	ssyncadd.s32 $0xFFFFE000  }
0xa4: {  	[tilespmem:s1], [sflag:$0xA] =	stream.linear.gather [hbm4b:s17+s3], $0x40, $0x38;
	[tilespmem:$0x1EA00] =	vst v63  }
0xa5: {  	s30 =	sadd.s32 $0x140, s24  }
0xa6: {  	[tilespmem:s5], [sflag:$0x2] =	stream.indirect.gather [hbm4b:s4+s0], $0x80, s30, s0, $0xb8;
	[tilespmem:$0x1EA00] =	vst v63  }
0xa7: {  	_ =	swait.ge [sflag:s21], $0x2000  }
0xa8: {  	[sflag:s21] =	ssyncset.done $0x0  }
0xa9: {  	[sflag:s21] =	ssyncadd.s32 $0xFFFFE000  }
0xaa: {  	[tilespmem:s7], [sflag:$0xB] =	stream.linear.gather [hbm4b:s26+s3], $0x40, $0x38;
	[tilespmem:$0x1EA00] =	vst v63  }
0xab: {  	s30 =	sadd.s32 $0x180, s24  }
0xac: {  	[tilespmem:s8], [sflag:$0x3] =	stream.indirect.gather [hbm4b:s4+s0], $0x80, s30, s0, $0xb8;
	[tilespmem:$0x1EA00] =	vst v63  }
0xad: {  	_ =	swait.ge [sflag:s23], $0x2000  }
.Ltmp3:
0xae: {  	s6 =	sadd.s32 $0x400, s6;
	[sflag:s23] =	ssyncset.done $0x0;
	(pc) =	sbr.rel .LBB2_2-.Ltmp3, $4  }
0xaf: {  	s28 =	sadd.s32 $0x20, s28;
	s17 =	sadd.s32 $0x20, s17;
	[sflag:s23] =	ssyncadd.s32 $0xFFFFE000  }
0xb0: {  	[tilespmem:s9], [sflag:$0xC] =	stream.linear.gather [hbm4b:s25+s3], $0x40, $0x38;
	[tilespmem:$0x1EA00] =	vst v63  }
0xb1: {  	s24 =	sadd.s32 $0x1C0, s24;
	s26 =	sadd.s32 $0x20, s26;
	s25 =	sadd.s32 $0x20, s25  }
0xb2: {  	[tilespmem:s10], [sflag:$0x4] =	stream.indirect.gather [hbm4b:s4+s0], $0x80, s24, s0, $0xb8;
	[tilespmem:$0x1EA00] =	vst v63  }
.LBB2_5:
0xb3: {  	_ =	sfence.sel $0x180000  }
0xb4: {  	[bflag:$0x0] =	sbarrier.arrive $0xFFFF  }
0xb5: {  	_ =	strace $0x9000004A  }
0xb6: {  	s0 =	stileid.u32;
	[bflag:$0x2] =	sbarrier.arrive $0xFFFF  }
0xb7: {  	p0 =	sne.s32 s0, $0x0;
	s0 =	rddreg [dreg:$0x3]  }
0xb8: {  	s0 =	sadd.s32 @!p0 $0x100000, s0  }
0xb9: {  	[sflag:s0] =	ssyncadd.tile.s32 @!p0 $0x1;
	_ =	shalt  }
.Lfunc_end2:
_tile_overlayer_lowered:
.L_overlay_start_2:
0xba: {  	(tag) =	ssettag $0x2  }
0xbb: {  	s0 =	rddreg [dreg:$0x0];
	s2 =	stileid.u32  }
0xbc: {  	s1 =	rddreg [dreg:$0x1];
	p0 =	sne.s32 s2, $0x0  }
0xbd: {  	s3 =	rddreg [dreg:$0x2];
	[bflag:$0x3] =	sbarrier.arrive $0xFFFF;
	s2 =	simm.s32 @!p0 $0x1C0D  }
0xbe: {  	[timem:s3], [sflag:s2] =	dma.local @!p0 [hbm:s0], s1  }
0xbf: {  	s0 =	simm.s32 @!p0 $0xD  }
0xc0: {  	_ =	swait.ge @!p0 [sflag:s0], s1  }
0xc1: {  	s1 =	ssub.s32 @!p0 $0x0, s1;
	[sflag:s0] =	ssyncset.done @!p0 $0x0  }
0xc2: {  	[sflag:s0] =	ssyncadd.s32 @!p0 s1  }
0xc3: {  	[bflag:$0x3] =	sbarrier.arrive $0xFFFF  }
0xc4: {  	_ =	shalt  }

// kernel: kernel.14.cloned.1.call-start
scs
__scs_entry_jumppad:
0x0: {  	(pc) =	sbr.rel $0x88, $3  }
0x1: {  	(tag) =	ssettag $0x0;
	lr =	simm.s32 $0x1  }
0x2: {  	[smem:$0x3F99] =	sst lr;
	_ =	strace $0xD0000000  }
0x3: {  	_ = 	snop  }
0x4: {  	_ = 	snop  }
0x5: {  	_ = 	snop  }
0x6: {  	_ = 	snop  }
0x7: {  	_ = 	snop  }
__scs_overlays_trampoline_lowered:
0x8: {  	[smem:$0x3FA8] =	sst s0  }
0x9: {  	[smem:$0x3FA9] =	sst s1  }
0xa: {  	[smem:$0x3FAA] =	sst s2  }
0xb: {  	[smem:$0x3FAB] =	sst s3  }
0xc: {  	[smem:$0x3FAC] =	sst s4  }
0xd: {  	[smem:$0x3FAD] =	sst s5  }
0xe: {  	[smem:$0x3FAE] =	sst s6  }
0xf: {  	[smem:$0x3FAF] =	sst s7  }
0x10: {  	[smem:$0x3FB0] =	sst s8  }
0x11: {  	[smem:$0x3FB1] =	sst s9;
	s0 =	simm.s32 @!p0 $0x0  }
0x12: {  	s1 =	sld [smem:$0x3F97];
	s0 =	simm.s32 @p0 $0x1  }
0x13: {  	[smem:$0x3FB2] =	sst s0;
	s0 =	simm.s32 @!p1 $0x0  }
0x14: {  	s2 =	sld [smem:$0x3F96];
	s0 =	simm.s32 @p1 $0x1  }
0x15: {  	[smem:$0x3FB3] =	sst s0;
	s0 =	simm.s32 @!p2 $0x0  }
0x16: {  	s3 =	sld [smem:$0x3FDB];
	s0 =	simm.s32 @p2 $0x1  }
0x17: {  	s4 =	simm.s32 $0x1BF5;
	[smem:$0x3FB5] =	sst s0  }
0x18: {  	s0 =	sld [smem:$0x3F98];
	_ =	swait.ge [sflag:s4], $0x0  }
0x19: {  	s7 =	sld [smem:$0x3F99]  }
0x1a: {  	s8 =	sadd.s32 $0xFFFFE003, lr  }
0x1b: {  	s9 =	sadd.s32 $0xFFFFFEF7, lr;
	s5 =	simm.s32 $0xFFFFFFFF;
	p2 =	slt.u32 s8, $0xFFFFF086  }
0x1c: {  	p1 =	slt.u32 s9, $0xF7A;
	s5 =	simm.s32 @!p2 $0x0  }
0x1d: {  	s5 =	simm.s32 @p1 $0x1;
	p0 =	seq.s32 s7, s2  }
0x1e: {  	s7 =	smul.u32 @!p0 $0xF7A, s2;
	p2 =	seq.s32 @!p0 s5, $0x0  }
0x1f: {  	s9 =	smul.u32 $0xF7A, s1;
	s8 =	simm.s32 @!p0 $0x1BF5;
	p2 =	por !p2, p0  }
0x20: {  	[sflag:s8] =	ssyncset.s32 @!p0 $0xFFFFF086;
	s6 =	sadd.s32 @!p0 s3, s7;
	s7 =	simm.s32 @!p0 $0x108  }
0x21: {  	s3 =	sadd.s32 s3, s9;
	s6 =	sadd.s32 @!p0 $0x88, s6;
	s7 =	simm.s32 @p2 $0x1082  }
0x22: {  	[simem:s7], [sflag:s8] =	dma.local @!p0 [hbm:s6], $0xF7A  }
0x23: {  	s9 =	sor.u32 $0xD0000000, s2;
	s6 =	simm.s32 $0x108;
	_ =	swait.ge @!p0 [sflag:s8], $0x0  }
0x24: {  	s3 =	sadd.s32 $0x88, s3;
	s6 =	simm.s32 @!p1 $0x1082;
	[sflag:s4] =	ssyncset.s32 $0xFFFFF086  }
0x25: {  	[simem:s6], [sflag:s4] =	dma.local [hbm:s3], $0xF7A  }
0x26: {  	[smem:$0x3F99] =	sst s1;
	(tag) =	ssettag s2;
	_ =	strace s9  }
0x27: {  	s1 =	sld [smem:$0x3FA9]  }
0x28: {  	s2 =	sld [smem:$0x3FAA]  }
0x29: {  	s4 =	sld [smem:$0x3FAC]  }
0x2a: {  	p0 =	seq.s32 s5, $0x0;
	s5 =	sld [smem:$0x3FAD]  }
0x2b: {  	s6 =	sld [smem:$0x3FAE]  }
0x2c: {  	s7 =	sld [smem:$0x3FAF]  }
0x2d: {  	s3 =	simm.s32 $0x108;
	s8 =	sld [smem:$0x3FB0]  }
0x2e: {  	s3 =	simm.s32 @!p0 $0x1082;
	s9 =	sld [smem:$0x3FB1]  }
0x2f: {  	lr =	sadd.s32 s0, s3;
	s0 =	sld [smem:$0x3FA8]  }
0x30: {  	s3 =	sld [smem:$0x3FAB]  }
0x31: {  	[smem:$0x3FB4] =	sst s10  }
0x32: {  	s10 =	sld [smem:$0x3FB2];
	_ =	sdelay $0x3  }
0x33: {  	p0 =	seq.s32 s10, $0x1;
	s10 =	sld [smem:$0x3FB4];
	_ =	sdelay $0x3  }
0x34: {  	[smem:$0x3FB4] =	sst s10  }
0x35: {  	s10 =	sld [smem:$0x3FB3];
	_ =	sdelay $0x3  }
0x36: {  	p1 =	seq.s32 s10, $0x1;
	s10 =	sld [smem:$0x3FB4];
	_ =	sdelay $0x3  }
0x37: {  	[smem:$0x3FB4] =	sst s10  }
0x38: {  	s10 =	sld [smem:$0x3FB5]  }
0x39: {  	_ = 	snop;
	(pc) =	sbr.ind lr, $3  }
0x3a: {  	_ = 	snop  }
0x3b: {  	_ = 	snop  }
0x3c: {  	p2 =	seq.s32 s10, $0x1;
	s10 =	sld [smem:$0x3FB4]  }
0x3d: {  	_ =	shalt  }
0x3e: {  	_ =	shalt  }
0x3f: {  	_ =	shalt  }
0x40: {  	_ =	shalt  }
0x41: {  	_ =	shalt  }
0x42: {  	_ =	shalt  }
0x43: {  	_ =	shalt  }
0x44: {  	_ =	shalt  }
0x45: {  	_ =	shalt  }
0x46: {  	_ =	shalt  }
0x47: {  	_ =	shalt  }
0x48: {  	_ =	shalt  }
0x49: {  	_ =	shalt  }
0x4a: {  	_ =	shalt  }
0x4b: {  	_ =	shalt  }
0x4c: {  	_ =	shalt  }
0x4d: {  	_ =	shalt  }
0x4e: {  	_ =	shalt  }
0x4f: {  	_ =	shalt  }
0x50: {  	_ =	shalt  }
0x51: {  	_ =	shalt  }
0x52: {  	_ =	shalt  }
0x53: {  	_ =	shalt  }
0x54: {  	_ =	shalt  }
0x55: {  	_ =	shalt  }
0x56: {  	_ =	shalt  }
0x57: {  	_ =	shalt  }
0x58: {  	_ =	shalt  }
0x59: {  	_ =	shalt  }
0x5a: {  	_ =	shalt  }
0x5b: {  	_ =	shalt  }
0x5c: {  	_ =	shalt  }
0x5d: {  	_ =	shalt  }
0x5e: {  	_ =	shalt  }
0x5f: {  	_ =	shalt  }
0x60: {  	_ =	shalt  }
0x61: {  	_ =	shalt  }
0x62: {  	_ =	shalt  }
0x63: {  	_ =	shalt  }
0x64: {  	_ =	shalt  }
0x65: {  	_ =	shalt  }
0x66: {  	_ =	shalt  }
0x67: {  	_ =	shalt  }
0x68: {  	_ =	shalt  }
0x69: {  	_ =	shalt  }
0x6a: {  	_ =	shalt  }
0x6b: {  	_ =	shalt  }
0x6c: {  	_ =	shalt  }
0x6d: {  	_ =	shalt  }
0x6e: {  	_ =	shalt  }
0x6f: {  	_ =	shalt  }
0x70: {  	_ =	shalt  }
0x71: {  	_ =	shalt  }
0x72: {  	_ =	shalt  }
0x73: {  	_ =	shalt  }
0x74: {  	_ =	shalt  }
0x75: {  	_ =	shalt  }
0x76: {  	_ =	shalt  }
0x77: {  	_ =	shalt  }
0x78: {  	_ =	shalt  }
0x79: {  	_ =	shalt  }
0x7a: {  	_ =	shalt  }
0x7b: {  	_ =	shalt  }
0x7c: {  	_ =	shalt  }
0x7d: {  	_ =	shalt  }
0x7e: {  	_ =	shalt  }
0x7f: {  	_ =	shalt  }
0x80: {  	_ =	shalt  }
0x81: {  	_ =	shalt  }
0x82: {  	_ =	shalt  }
0x83: {  	_ =	shalt  }
0x84: {  	_ =	shalt  }
0x85: {  	_ =	shalt  }
0x86: {  	_ =	shalt  }
0x87: {  	_ =	shalt  }
.Lfunc_end0:
.L_simem_size_0:
called_computation.2_lowered:
.L_overlay_start_0:
0x88: {  	s2 =	sld [smem:$0x3FD9]  }
0x89: {  	s3 =	sld [smem:$0x3FFE];
	_ =	sdelay $0x1  }
0x8a: {  	s1 =	srdreg.scid  }
0x8b: {  	s0 =	sand.u32 $0x1, s1  }
0x8c: {  	s17 =	sshll.u32 s0, $0xA;
	s2 =	sadd.s32 s3, s2  }
0x8d: {  	s2 =	sadd.s32 s2, s17  }
0x8e: {  	[smem:$0x3FC0] =	sst s2  }
0x8f: {  	_ = 	snop  }
0x90: {  	s2 =	sld [smem:$0x3FD0];
	(tm) =	ssettm $0x1  }
0x91: {  	s18 =	sld [smem:$0x3FFB];
	_ =	sdelay $0x3  }
0x92: {  	_ =	strace s18  }
0x93: {  	s3 =	sld [smem:$0x3FFC];
	_ =	sdelay $0x3  }
0x94: {  	_ =	strace s3  }
0x95: {  	s3 =	sld [smem:$0x3FFD];
	_ =	sdelay $0x3  }
0x96: {  	_ =	strace s3  }
0x97: {  	_ =	strace $0x8FFFFFFF  }
0x98: {  	s19 =	sld [smem:$0x3FDB];
	_ =	sdelay $0x1  }
0x99: {  	s4 =	simm.s32 $_scs_section_size  }
0x9a: {  	s5 =	simm.s32 $_size__tile_overlayer_lowered;
	s6 =	simm.s32 $_tile_overlayer_lowered  }
0x9b: {  	s22 =	simm.s32 $0x1BFF;
	s21 =	sshll.u32 s6, $0x1;
	s3 =	sadd.s32 s4, s19  }
0x9c: {  	s7 =	simm.s32 $0x0;
	s20 =	sshll.u32 s5, $0x1;
	s5 =	sadd.s32 s21, s3  }
0x9d: {  	[timem:s7], [sflag:s22] =	dma.local [hbm:s5], s20  }
0x9e: {  	_ =	swait.ge [sflag:s22], s20  }
0x9f: {  	s4 =	ssub.s32 $0x0, s20;
	[sflag:s22] =	ssyncset.done $0x0  }
0xa0: {  	[sflag:s22] =	ssyncadd.s32 s4;
	_ =	sdelay $0x1  }
0xa1: {  	s23 =	simm.s32 $0x1B8B  }
0xa2: {  	_ =	swait.ge [sflag:s23], $0x1  }
0xa3: {  	[sflag:s23] =	ssyncset.done $0x0  }
0xa4: {  	s25 =	simm.s32 $0x1B8E;
	s24 =	sld [smem:$0x3FFE];
	[sflag:s23] =	ssyncadd.s32 $0xFFFFFFFF  }
0xa5: {  	s26 =	simm.s32 $execute0_lowered;
	[smem:$0x3FD2] =	sst s25  }
0xa6: {  	s5 =	sshll.u32 s26, $0x1;
	_ =	strace $0x8000004C;
	[dreg:$0x1] =	wrdreg $0xFFFFFFFF  }
0xa7: {  	s28 =	simm.s32 $_size_execute0_lowered;
	s3 =	sadd.s32 s3, s5;
	[dreg:$0x0] =	wrdreg $0x0  }
0xa8: {  	s5 =	sshll.u32 s28, $0x1;
	[dreg:$0x2] =	wrdreg s3  }
0xa9: {  	[dreg:$0x3] =	wrdreg s5  }
0xaa: {  	[dreg:$0x4] =	wrdreg $0xC0  }
0xab: {  	_ =	task [dreg:s7], $0x5FFFF  }
0xac: {  	[dreg:$0x1] =	wrdreg $0xFFFFFFFF  }
0xad: {  	[dreg:$0x0] =	wrdreg $0x60  }
0xae: {  	[dreg:$0x2] =	wrdreg s24  }
0xaf: {  	[dreg:$0x3] =	wrdreg s2  }
0xb0: {  	[dreg:$0x4] =	wrdreg $0xAA000  }
0xb1: {  	[dreg:$0x5] =	wrdreg $0x9  }
0xb2: {  	_ =	task.clear_ibuf [dreg:s7], $0x6FFFF;
	_ =	strace $0x9000004C  }
0xb3: {  	s29 =	simm.s32 $0x9;
	_ =	strace $0x8000004E  }
0xb4: {  	_ =	swait.ge [sflag:s29], $0x1  }
0xb5: {  	[sflag:s29] =	ssyncadd.s32 $0xFFFFFFFF  }
0xb6: {  	_ =	strace $0x9000004E  }
0xb7: {  	_ =	sfence  }
0xb8: {  	s30 =	sld [smem:$0x0];
	_ =	sdelay $0x2  }
0xb9: {  	s31 =	sshll.u32 s1, $0xD;
	s1 =	sshrl.u32 s1, $0x2  }
0xba: {  	s3 =	sand.u32 $0x4000, s31;
	s1 =	sadd.s32 s1, s30  }
0xbb: {  	s0 =	sor.u32 s3, s0;
	s1 =	sshll.u32 s1, $0x11  }
0xbc: {  	s0 =	sor.u32 s1, s0  }
0xbd: {  	s0 =	sadd.s32 $0x8F2B, s0  }
0xbe: {  	[sflag:s0] =	ssyncadd.remote.s32 $0x1  }
0xbf: {  	_ =	sfence.sel $0xFFFF  }
0xc0: {  	[dreg:$0x0] =	wrdreg $0xFFFFFFFF;
	(pc) =	sbr.abs _section_cstart, $3  }
0xc1: {  	[dreg:$0x1] =	wrdreg $0xFFFFFFFF  }
0xc2: {  	_ =	task.clear_ibuf [dreg:s7], $0x2FFFF;
	_ =	strace $0x9FFFFFFF  }
0xc3: {  	(tm) =	ssettm $0x7FFFFFFF  }
tec
execute0_lowered:
.L_overlay_start_1:
0x0: {  	(tag) =	ssettag $0x1  }
0x1: {  	s0 =	rddreg [dreg:$0x0]  }
0x2: {  	s1 =	srdreg.scid;
	s5 =	rddreg [dreg:$0x1]  }
0x3: {  	s2 =	rddreg [dreg:$0x2];
	s11 =	stileid.u32  }
0x4: {  	s3 =	simm.s32 $0x0;
	s29 =	simm.s32 $0x2A00;
	s31 =	simm.s32 $0x2800  }
0x5: {  	s1 =	sand.u32 $0x1, s1;
	[smem:$0x7FF] =	sst s3;
	s8 =	smul.u32 $0x2800, s11  }
0x6: {  	s10 =	sadd.s32 $0x34C00, s0;
	s23 =	sshll.u32 s11, $0xD;
	s15 =	smul.u32 $0x50000, s11  }
0x7: {  	s4 =	sshll.u32 s1, $0x4;
	_ =	strace $0x8000004D;
	s7 =	smul.u32 $0x28000, s1  }
0x8: {  	[dreg:$0x4] =	wrdreg s10;
	s1 =	ssub.s32 $0x2, s1;
	s10 =	sadd.s32 s23, s2  }
0x9: {  	s4 =	sor.u32 s11, s4;
	s24 =	sadd.s32 $0x20000, s10;
	[dreg:$0x5] =	wrdreg s10  }
0xa: {  	s22 =	sshrl.u32 s1, $0x1;
	s25 =	sadd.s32 $0x40000, s10;
	[dreg:$0x6] =	wrdreg s24  }
0xb: {  	s26 =	sadd.s32 $0x60000, s10;
	s28 =	sadd.s32 $0x80000, s10;
	[dreg:$0x7] =	wrdreg s25  }
0xc: {  	s30 =	sadd.s32 $0xA0000, s10;
	s12 =	sadd.s32 $0xC0000, s10;
	[dreg:$0x8] =	wrdreg s26  }
0xd: {  	s13 =	sadd.s32 $0xE0000, s10;
	s14 =	sadd.s32 $0x100000, s10;
	[dreg:$0x9] =	wrdreg s28  }
0xe: {  	s10 =	sadd.s32 $0x120000, s10;
	s18 =	sshrl.u32 s15, $0x2;
	[dreg:$0xa] =	wrdreg s30  }
0xf: {  	s11 =	simm.s32 $0x9;
	s15 =	simm.s32 $0xB;
	[dreg:$0xb] =	wrdreg s12  }
0x10: {  	s6 =	smul.u32 $0x2800, s4;
	s4 =	sadd.s32 $0xCC00, s0;
	[dreg:$0xc] =	wrdreg s13  }
0x11: {  	s7 =	sadd.s32 s8, s7;
	s1 =	ssub.s32 s1, s22;
	[dreg:$0xd] =	wrdreg s14  }
0x12: {  	[dreg:$0xe] =	wrdreg s10;
	s24 =	sadd.s32 s18, s2;
	s10 =	simm.s32 $0x8A00  }
0x13: {  	s12 =	simm.s32 $0x1;
	s13 =	simm.s32 $0xA;
	s14 =	simm.s32 $0x2  }
0x14: {  	s18 =	simm.s32 $0xC;
	s16 =	sor.u32 $0x100, s7;
	s20 =	sor.u32 $0x140, s7  }
0x15: {  	s21 =	sor.u32 $0x180, s7;
	s25 =	smax.u32 s1, $0x1;
	s26 =	sshrl.u32 s24, $0x3  }
0x16: {  	s1 =	simm.s32 $0x2880;
	s24 =	simm.s32 $0x0;
	[dreg:$0x17] =	wrdreg s25  }
0x17: {  	s6 =	sshrl.u32 s6, $0x3;
	s19 =	sshrl.u32 s16, $0x3;
	[dreg:$0x18] =	wrdreg s26  }
0x18: {  	s16 =	simm.s32 $0x3;
	s9 =	sadd.s32 s6, s0;
	s0 =	sadd.s32 s7, s0  }
0x19: {  	s17 =	sadd.s32 s5, s6;
	s8 =	sadd.s32 s19, s5;
	s7 =	sor.u32 $0x1C0, s7  }
0x1a: {  	s19 =	simm.s32 $0x4;
	s9 =	sadd.s32 $0x2C00, s9;
	[dreg:$0x11] =	wrdreg s8  }
0x1b: {  	s8 =	sshrl.u32 s20, $0x3;
	s7 =	sshrl.u32 s7, $0x3;
	[dreg:$0x10] =	wrdreg s17  }
0x1c: {  	s23 =	sadd.s32 $0x8, s17;
	s0 =	sadd.s32 $0x35000, s0;
	[dreg:$0xf] =	wrdreg s9  }
0x1d: {  	s28 =	sadd.s32 $0x10, s17;
	s30 =	sadd.s32 $0x18, s17;
	[dreg:$0x15] =	wrdreg s23  }
0x1e: {  	s17 =	simm.s32 $0xD;
	s20 =	simm.s32 $0x5;
	[dreg:$0x16] =	wrdreg s0  }
0x1f: {  	s9 =	sshrl.u32 s21, $0x3;
	s8 =	sadd.s32 s8, s5;
	[dreg:$0x19] =	wrdreg s28  }
.Ltmp0:
0x20: {  	[dreg:$0x1a] =	wrdreg s30;
	s0 =	simm.s32 $0x40;
	(pc) =	sbr.rel .LBB2_1-.Ltmp0, $4  }
0x21: {  	s21 =	simm.s32 $0x7;
	s23 =	simm.s32 $0x8;
	[dreg:$0x12] =	wrdreg s8  }
0x22: {  	s22 =	sadd.s32 s9, s5;
	s5 =	sadd.s32 s7, s5;
	s7 =	simm.s32 $0x2900  }
0x23: {  	s8 =	simm.s32 $0x6A00;
	s9 =	simm.s32 $0x2980;
	[dreg:$0x13] =	wrdreg s22  }
0x24: {  	[dreg:$0x14] =	wrdreg s5;
	s5 =	simm.s32 $0x4A00;
	s22 =	simm.s32 $0x6  }
.LBB2_4:
0x25: {  	_ =	swait.ge [sflag:s22], $0x2000  }
0x26: {  	[sflag:s22] =	ssyncset.done $0x0  }
0x27: {  	[sflag:s22] =	ssyncadd.s32 $0xFFFFE000  }
0x28: {  	_ =	swait.ge [sflag:s21], $0x2000  }
0x29: {  	[sflag:s21] =	ssyncset.done $0x0  }
0x2a: {  	[sflag:s21] =	ssyncadd.s32 $0xFFFFE000  }
0x2b: {  	_ =	swait.ge [sflag:s23], $0x2000  }
0x2c: {  	[sflag:s23] =	ssyncset.done $0x0  }
0x2d: {  	[sflag:s23] =	ssyncadd.s32 $0xFFFFE000  }
0x2e: {  	s6 =	stileid.u32;
	[bflag:$0x0] =	sbarrier.arrive $0xFFFF  }
0x2f: {  	s6 =	sshll.u32 s6, $0x6;
	s17 =	rddreg [dreg:$0x16]  }
0x30: {  	s6 =	sor.u32 $0x1C0D, s6;
	s24 =	rddreg [dreg:$0x18]  }
0x31: {  	[hbm:s17], [sflag:s6] =	dma.local [spmem:s24], $0x2800  }
0x32: {  	s17 =	simm.s32 $0xD  }
0x33: {  	_ =	swait.ge [sflag:s17], $0x2800  }
0x34: {  	s28 =	rddreg [dreg:$0x1b]  }
0x35: {  	s30 =	rddreg [dreg:$0x17];
	s24 =	sadd.s32 $0x1, s28  }
0x36: {  	p0 =	sne.s32 s24, s30  }
.Ltmp1:
0x37: {  	_ = 	snop;
	(pc) =	sbr.rel @!p0 .LBB2_5-.Ltmp1, $3  }
0x38: {  	_ =	sdelay $0x1  }
0x39: {  	[sflag:s17] =	ssyncset.done $0x0  }
0x3a: {  	[sflag:s17] =	ssyncadd.s32 $0xFFFFD800  }
.LBB2_1:
0x3b: {  	[dreg:$0x1b] =	wrdreg s24  }
0x3c: {  	s6 =	rddreg [dreg:$0x4]  }
0x3d: {  	[tilespmem:s29], [sflag:$0xD] =	stream.linear.gather [hbm4b:s6+s3], $0x2000, $0x38;
	[tilespmem:$0x1EA00] =	vst v63  }
0x3e: {  	_ =	swait.ge [sflag:s17], $0x2000  }
0x3f: {  	[sflag:s17] =	ssyncset.done $0x0  }
0x40: {  	s24 =	rddreg [dreg:$0x5];
	[sflag:s17] =	ssyncadd.s32 $0xFFFFE000  }
0x41: {  	[spmem:s24] =	stream.linear.scatter [tilespmem:s29], [sflag:$0xD], $0x2000, $0x38;
	[tilespmem:$0x1EA00] =	vst v63  }
0x42: {  	_ =	swait.ge [sflag:s17], $0x2000  }
0x43: {  	[sflag:s17] =	ssyncset.done $0x0  }
0x44: {  	s25 =	rddreg [dreg:$0x6];
	[sflag:s17] =	ssyncadd.s32 $0xFFFFE000  }
0x45: {  	[spmem:s25] =	stream.linear.scatter [tilespmem:s29], [sflag:$0xD], $0x2000, $0x38;
	[tilespmem:$0x1EA00] =	vst v63  }
0x46: {  	_ =	swait.ge [sflag:s17], $0x2000  }
0x47: {  	[sflag:s17] =	ssyncset.done $0x0  }
0x48: {  	s26 =	rddreg [dreg:$0x7];
	[sflag:s17] =	ssyncadd.s32 $0xFFFFE000  }
0x49: {  	[spmem:s26] =	stream.linear.scatter [tilespmem:s29], [sflag:$0xD], $0x2000, $0x38;
	[tilespmem:$0x1EA00] =	vst v63  }
0x4a: {  	_ =	swait.ge [sflag:s17], $0x2000  }
0x4b: {  	[sflag:s17] =	ssyncset.done $0x0  }
0x4c: {  	s30 =	rddreg [dreg:$0x8];
	[sflag:s17] =	ssyncadd.s32 $0xFFFFE000  }
0x4d: {  	[spmem:s30] =	stream.linear.scatter [tilespmem:s29], [sflag:$0xD], $0x2000, $0x38;
	[tilespmem:$0x1EA00] =	vst v63  }
0x4e: {  	_ =	swait.ge [sflag:s17], $0x2000  }
0x4f: {  	[sflag:s17] =	ssyncset.done $0x0  }
0x50: {  	s24 =	rddreg [dreg:$0x9];
	[sflag:s17] =	ssyncadd.s32 $0xFFFFE000  }
0x51: {  	[spmem:s24] =	stream.linear.scatter [tilespmem:s29], [sflag:$0xD], $0x2000, $0x38;
	[tilespmem:$0x1EA00] =	vst v63  }
0x52: {  	_ =	swait.ge [sflag:s17], $0x2000  }
0x53: {  	[sflag:s17] =	ssyncset.done $0x0  }
0x54: {  	s25 =	rddreg [dreg:$0xa];
	[sflag:s17] =	ssyncadd.s32 $0xFFFFE000  }
0x55: {  	[spmem:s25] =	stream.linear.scatter [tilespmem:s29], [sflag:$0xD], $0x2000, $0x38;
	[tilespmem:$0x1EA00] =	vst v63  }
0x56: {  	_ =	swait.ge [sflag:s17], $0x2000  }
0x57: {  	[sflag:s17] =	ssyncset.done $0x0  }
0x58: {  	s26 =	rddreg [dreg:$0xb];
	[sflag:s17] =	ssyncadd.s32 $0xFFFFE000  }
0x59: {  	[spmem:s26] =	stream.linear.scatter [tilespmem:s29], [sflag:$0xD], $0x2000, $0x38;
	[tilespmem:$0x1EA00] =	vst v63  }
0x5a: {  	_ =	swait.ge [sflag:s17], $0x2000  }
0x5b: {  	[sflag:s17] =	ssyncset.done $0x0  }
0x5c: {  	s30 =	rddreg [dreg:$0xc];
	[sflag:s17] =	ssyncadd.s32 $0xFFFFE000  }
0x5d: {  	[spmem:s30] =	stream.linear.scatter [tilespmem:s29], [sflag:$0xD], $0x2000, $0x38;
	[tilespmem:$0x1EA00] =	vst v63  }
0x5e: {  	_ =	swait.ge [sflag:s17], $0x2000  }
0x5f: {  	[sflag:s17] =	ssyncset.done $0x0  }
0x60: {  	s24 =	rddreg [dreg:$0xd];
	[sflag:s17] =	ssyncadd.s32 $0xFFFFE000  }
0x61: {  	[spmem:s24] =	stream.linear.scatter [tilespmem:s29], [sflag:$0xD], $0x2000, $0x38;
	[tilespmem:$0x1EA00] =	vst v63  }
0x62: {  	_ =	swait.ge [sflag:s17], $0x2000  }
0x63: {  	[sflag:s17] =	ssyncset.done $0x0  }
0x64: {  	s25 =	rddreg [dreg:$0xe];
	[sflag:s17] =	ssyncadd.s32 $0xFFFFE000  }
0x65: {  	[spmem:s25] =	stream.linear.scatter [tilespmem:s29], [sflag:$0xD], $0x2000, $0x38;
	[tilespmem:$0x1EA00] =	vst v63  }
0x66: {  	_ =	swait.ge [sflag:s17], $0x2000  }
0x67: {  	[sflag:s17] =	ssyncset.done $0x0  }
0x68: {  	s26 =	rddreg [dreg:$0xf];
	[sflag:s17] =	ssyncadd.s32 $0xFFFFE000  }
0x69: {  	[tilespmem:s3], [sflag:$0xD] =	stream.linear.gather [hbm4b:s26+s3], $0x2800, $0x38;
	[tilespmem:$0x1EA00] =	vst v63  }
0x6a: {  	_ =	swait.ge [sflag:s17], $0x2800  }
0x6b: {  	[sflag:s17] =	ssyncset.done $0x0  }
0x6c: {  	[sflag:s17] =	ssyncadd.s32 $0xFFFFD800  }
0x6d: {  	[bflag:$0x0] =	sbarrier.arrive $0xFFFF  }
0x6e: {  	s30 =	rddreg [dreg:$0x10]  }
0x6f: {  	[tilespmem:s31], [sflag:$0x9] =	stream.linear.gather [hbm4b:s30+s3], $0x40, $0x38;
	[tilespmem:$0x1EA00] =	vst v63  }
0x70: {  	s17 =	rddreg [dreg:$0x15]  }
0x71: {  	[tilespmem:s29], [sflag:$0x1] =	stream.indirect.gather [hbm4b:s4+s0], $0x80, s3, s0, $0xb8;
	[tilespmem:$0x1EA00] =	vst v63  }
0x72: {  	s24 =	rddreg [dreg:$0x19]  }
0x73: {  	[tilespmem:s1], [sflag:$0xA] =	stream.linear.gather [hbm4b:s17+s3], $0x40, $0x38;
	[tilespmem:$0x1EA00] =	vst v63  }
0x74: {  	s26 =	rddreg [dreg:$0x1a]  }
0x75: {  	[tilespmem:s5], [sflag:$0x2] =	stream.indirect.gather [hbm4b:s4+s0], $0x80, s0, s0, $0xb8;
	[tilespmem:$0x1EA00] =	vst v63  }
0x76: {  	s28 =	rddreg [dreg:$0x11]  }
0x77: {  	[tilespmem:s7], [sflag:$0xB] =	stream.linear.gather [hbm4b:s24+s3], $0x40, $0x38;
	[tilespmem:$0x1EA00] =	vst v63  }
0x78: {  	s25 =	simm.s32 $0x80;
	s17 =	rddreg [dreg:$0x12]  }
0x79: {  	[tilespmem:s8], [sflag:$0x3] =	stream.indirect.gather [hbm4b:s4+s0], $0x80, s25, s0, $0xb8;
	[tilespmem:$0x1EA00] =	vst v63  }
0x7a: {  	s25 =	rddreg [dreg:$0x14]  }
0x7b: {  	[tilespmem:s9], [sflag:$0xC] =	stream.linear.gather [hbm4b:s26+s3], $0x40, $0x38;
	[tilespmem:$0x1EA00] =	vst v63  }
0x7c: {  	s6 =	simm.s32 $0x0;
	s30 =	simm.s32 $0xC0;
	s26 =	rddreg [dreg:$0x13]  }
0x7d: {  	[tilespmem:s10], [sflag:$0x4] =	stream.indirect.gather [hbm4b:s4+s0], $0x80, s30, s0, $0xb8;
	[tilespmem:$0x1EA00] =	vst v63  }
.LBB2_2:
0x7e: {  	_ =	swait.ge [sflag:s11], $0x40  }
0x7f: {  	[sflag:s11] =	ssyncset.done $0x0  }
0x80: {  	[sflag:s11] =	ssyncadd.s32 $0xFFFFFFC0  }
0x81: {  	_ =	swait.ge [sflag:s12], $0x2000  }
0x82: {  	[sflag:s12] =	ssyncset.done $0x0  }
0x83: {  	[sflag:s12] =	ssyncadd.s32 $0xFFFFE000  }
0x84: {  	[spmem:s2] =	stream.indirect.scatter.add.f32 [tilespmem:s29], [sflag:$0x5], $0x80, s31, s0, $0xb8;
	[tilespmem:$0x1EA00] =	vst v63  }
0x85: {  	_ =	swait.ge [sflag:s13], $0x40  }
0x86: {  	[sflag:s13] =	ssyncset.done $0x0  }
0x87: {  	[sflag:s13] =	ssyncadd.s32 $0xFFFFFFC0  }
0x88: {  	_ =	swait.ge [sflag:s14], $0x2000  }
0x89: {  	[sflag:s14] =	ssyncset.done $0x0  }
0x8a: {  	[sflag:s14] =	ssyncadd.s32 $0xFFFFE000  }
0x8b: {  	[spmem:s2] =	stream.indirect.scatter.add.f32 [tilespmem:s5], [sflag:$0x6], $0x80, s1, s0, $0xb8;
	[tilespmem:$0x1EA00] =	vst v63  }
0x8c: {  	_ =	swait.ge [sflag:s15], $0x40  }
0x8d: {  	[sflag:s15] =	ssyncset.done $0x0  }
0x8e: {  	[sflag:s15] =	ssyncadd.s32 $0xFFFFFFC0  }
0x8f: {  	_ =	swait.ge [sflag:s16], $0x2000  }
0x90: {  	[sflag:s16] =	ssyncset.done $0x0  }
0x91: {  	[sflag:s16] =	ssyncadd.s32 $0xFFFFE000  }
0x92: {  	[spmem:s2] =	stream.indirect.scatter.add.f32 [tilespmem:s8], [sflag:$0x7], $0x80, s7, s0, $0xb8;
	[tilespmem:$0x1EA00] =	vst v63  }
0x93: {  	_ =	swait.ge [sflag:s18], $0x40  }
0x94: {  	[sflag:s18] =	ssyncset.done $0x0  }
0x95: {  	[sflag:s18] =	ssyncadd.s32 $0xFFFFFFC0  }
0x96: {  	_ =	swait.ge [sflag:s19], $0x2000  }
0x97: {  	p0 =	seq.s32 s6, $0x9C00;
	[sflag:s19] =	ssyncset.done $0x0  }
.Ltmp2:
0x98: {  	[sflag:s19] =	ssyncadd.s32 $0xFFFFE000;
	(pc) =	sbr.rel @p0 .LBB2_4-.Ltmp2, $4  }
0x99: {  	[spmem:s2] =	stream.indirect.scatter.add.f32 [tilespmem:s10], [sflag:$0x8], $0x80, s9, s0, $0xb8;
	[tilespmem:$0x1EA00] =	vst v63  }
0x9a: {  	_ =	swait.ge [sflag:s20], $0x2000  }
0x9b: {  	[sflag:s20] =	ssyncset.done $0x0  }
0x9c: {  	[sflag:s20] =	ssyncadd.s32 $0xFFFFE000  }
0x9d: {  	[tilespmem:s31], [sflag:$0x9] =	stream.linear.gather [hbm4b:s28+s3], $0x40, $0x38;
	[tilespmem:$0x1EA00] =	vst v63  }
0x9e: {  	s24 =	sshra.s32 s6, $0x2  }
0x9f: {  	s30 =	sadd.s32 $0x100, s24  }
0xa0: {  	[tilespmem:s29], [sflag:$0x1] =	stream.indirect.gather [hbm4b:s4+s0], $0x80, s30, s0, $0xb8;
	[tilespmem:$0x1EA00] =	vst v63  }
0xa1: {  	_ =	swait.ge [sflag:s22], $0x2000  }
0xa2: {  	[sflag:s22] =	ssyncset.done $0x0  }
0xa3: {  	[sflag:s22] =	ssyncadd.s32 $0xFFFFE000  }
0xa4: {  	[tilespmem:s1], [sflag:$0xA] =	stream.linear.gather [hbm4b:s17+s3], $0x40, $0x38;
	[tilespmem:$0x1EA00] =	vst v63  }
0xa5: {  	s30 =	sadd.s32 $0x140, s24  }
0xa6: {  	[tilespmem:s5], [sflag:$0x2] =	stream.indirect.gather [hbm4b:s4+s0], $0x80, s30, s0, $0xb8;
	[tilespmem:$0x1EA00] =	vst v63  }
0xa7: {  	_ =	swait.ge [sflag:s21], $0x2000  }
0xa8: {  	[sflag:s21] =	ssyncset.done $0x0  }
0xa9: {  	[sflag:s21] =	ssyncadd.s32 $0xFFFFE000  }
0xaa: {  	[tilespmem:s7], [sflag:$0xB] =	stream.linear.gather [hbm4b:s26+s3], $0x40, $0x38;
	[tilespmem:$0x1EA00] =	vst v63  }
0xab: {  	s30 =	sadd.s32 $0x180, s24  }
0xac: {  	[tilespmem:s8], [sflag:$0x3] =	stream.indirect.gather [hbm4b:s4+s0], $0x80, s30, s0, $0xb8;
	[tilespmem:$0x1EA00] =	vst v63  }
0xad: {  	_ =	swait.ge [sflag:s23], $0x2000  }
.Ltmp3:
0xae: {  	s6 =	sadd.s32 $0x400, s6;
	[sflag:s23] =	ssyncset.done $0x0;
	(pc) =	sbr.rel .LBB2_2-.Ltmp3, $4  }
0xaf: {  	s28 =	sadd.s32 $0x20, s28;
	s17 =	sadd.s32 $0x20, s17;
	[sflag:s23] =	ssyncadd.s32 $0xFFFFE000  }
0xb0: {  	[tilespmem:s9], [sflag:$0xC] =	stream.linear.gather [hbm4b:s25+s3], $0x40, $0x38;
	[tilespmem:$0x1EA00] =	vst v63  }
0xb1: {  	s24 =	sadd.s32 $0x1C0, s24;
	s26 =	sadd.s32 $0x20, s26;
	s25 =	sadd.s32 $0x20, s25  }
0xb2: {  	[tilespmem:s10], [sflag:$0x4] =	stream.indirect.gather [hbm4b:s4+s0], $0x80, s24, s0, $0xb8;
	[tilespmem:$0x1EA00] =	vst v63  }
.LBB2_5:
0xb3: {  	_ =	sfence.sel $0x180000  }
0xb4: {  	[bflag:$0x0] =	sbarrier.arrive $0xFFFF  }
0xb5: {  	_ =	strace $0x9000004D  }
0xb6: {  	s0 =	stileid.u32;
	[bflag:$0x2] =	sbarrier.arrive $0xFFFF  }
0xb7: {  	p0 =	sne.s32 s0, $0x0;
	s0 =	rddreg [dreg:$0x3]  }
0xb8: {  	s0 =	sadd.s32 @!p0 $0x100000, s0  }
0xb9: {  	[sflag:s0] =	ssyncadd.tile.s32 @!p0 $0x1;
	_ =	shalt  }
.Lfunc_end2:
_tile_overlayer_lowered:
.L_overlay_start_2:
0xba: {  	(tag) =	ssettag $0x2  }
0xbb: {  	s0 =	rddreg [dreg:$0x0];
	s2 =	stileid.u32  }
0xbc: {  	s1 =	rddreg [dreg:$0x1];
	p0 =	sne.s32 s2, $0x0  }
0xbd: {  	s3 =	rddreg [dreg:$0x2];
	[bflag:$0x3] =	sbarrier.arrive $0xFFFF;
	s2 =	simm.s32 @!p0 $0x1C0D  }
0xbe: {  	[timem:s3], [sflag:s2] =	dma.local @!p0 [hbm:s0], s1  }
0xbf: {  	s0 =	simm.s32 @!p0 $0xD  }
0xc0: {  	_ =	swait.ge @!p0 [sflag:s0], s1  }
0xc1: {  	s1 =	ssub.s32 @!p0 $0x0, s1;
	[sflag:s0] =	ssyncset.done @!p0 $0x0  }
0xc2: {  	[sflag:s0] =	ssyncadd.s32 @!p0 s1  }
0xc3: {  	[bflag:$0x3] =	sbarrier.arrive $0xFFFF  }
0xc4: {  	_ =	shalt  }

// kernel: kernel.8.cloned.1.call-start
scs
__scs_entry_jumppad:
0x0: {  	(pc) =	sbr.rel $0x88, $3  }
0x1: {  	(tag) =	ssettag $0x0;
	lr =	simm.s32 $0x1  }
0x2: {  	[smem:$0x3F99] =	sst lr;
	_ =	strace $0xD0000000  }
0x3: {  	_ = 	snop  }
0x4: {  	_ = 	snop  }
0x5: {  	_ = 	snop  }
0x6: {  	_ = 	snop  }
0x7: {  	_ = 	snop  }
__scs_overlays_trampoline_lowered:
0x8: {  	[smem:$0x3FA8] =	sst s0  }
0x9: {  	[smem:$0x3FA9] =	sst s1  }
0xa: {  	[smem:$0x3FAA] =	sst s2  }
0xb: {  	[smem:$0x3FAB] =	sst s3  }
0xc: {  	[smem:$0x3FAC] =	sst s4  }
0xd: {  	[smem:$0x3FAD] =	sst s5  }
0xe: {  	[smem:$0x3FAE] =	sst s6  }
0xf: {  	[smem:$0x3FAF] =	sst s7  }
0x10: {  	[smem:$0x3FB0] =	sst s8  }
0x11: {  	[smem:$0x3FB1] =	sst s9;
	s0 =	simm.s32 @!p0 $0x0  }
0x12: {  	s1 =	sld [smem:$0x3F97];
	s0 =	simm.s32 @p0 $0x1  }
0x13: {  	[smem:$0x3FB2] =	sst s0;
	s0 =	simm.s32 @!p1 $0x0  }
0x14: {  	s2 =	sld [smem:$0x3F96];
	s0 =	simm.s32 @p1 $0x1  }
0x15: {  	[smem:$0x3FB3] =	sst s0;
	s0 =	simm.s32 @!p2 $0x0  }
0x16: {  	s3 =	sld [smem:$0x3FDB];
	s0 =	simm.s32 @p2 $0x1  }
0x17: {  	s4 =	simm.s32 $0x1BF5;
	[smem:$0x3FB5] =	sst s0  }
0x18: {  	s0 =	sld [smem:$0x3F98];
	_ =	swait.ge [sflag:s4], $0x0  }
0x19: {  	s7 =	sld [smem:$0x3F99]  }
0x1a: {  	s8 =	sadd.s32 $0xFFFFE003, lr  }
0x1b: {  	s9 =	sadd.s32 $0xFFFFFEF7, lr;
	s5 =	simm.s32 $0xFFFFFFFF;
	p2 =	slt.u32 s8, $0xFFFFF086  }
0x1c: {  	p1 =	slt.u32 s9, $0xF7A;
	s5 =	simm.s32 @!p2 $0x0  }
0x1d: {  	s5 =	simm.s32 @p1 $0x1;
	p0 =	seq.s32 s7, s2  }
0x1e: {  	s7 =	smul.u32 @!p0 $0xF7A, s2;
	p2 =	seq.s32 @!p0 s5, $0x0  }
0x1f: {  	s9 =	smul.u32 $0xF7A, s1;
	s8 =	simm.s32 @!p0 $0x1BF5;
	p2 =	por !p2, p0  }
0x20: {  	[sflag:s8] =	ssyncset.s32 @!p0 $0xFFFFF086;
	s6 =	sadd.s32 @!p0 s3, s7;
	s7 =	simm.s32 @!p0 $0x108  }
0x21: {  	s3 =	sadd.s32 s3, s9;
	s6 =	sadd.s32 @!p0 $0x88, s6;
	s7 =	simm.s32 @p2 $0x1082  }
0x22: {  	[simem:s7], [sflag:s8] =	dma.local @!p0 [hbm:s6], $0xF7A  }
0x23: {  	s9 =	sor.u32 $0xD0000000, s2;
	s6 =	simm.s32 $0x108;
	_ =	swait.ge @!p0 [sflag:s8], $0x0  }
0x24: {  	s3 =	sadd.s32 $0x88, s3;
	s6 =	simm.s32 @!p1 $0x1082;
	[sflag:s4] =	ssyncset.s32 $0xFFFFF086  }
0x25: {  	[simem:s6], [sflag:s4] =	dma.local [hbm:s3], $0xF7A  }
0x26: {  	[smem:$0x3F99] =	sst s1;
	(tag) =	ssettag s2;
	_ =	strace s9  }
0x27: {  	s1 =	sld [smem:$0x3FA9]  }
0x28: {  	s2 =	sld [smem:$0x3FAA]  }
0x29: {  	s4 =	sld [smem:$0x3FAC]  }
0x2a: {  	p0 =	seq.s32 s5, $0x0;
	s5 =	sld [smem:$0x3FAD]  }
0x2b: {  	s6 =	sld [smem:$0x3FAE]  }
0x2c: {  	s7 =	sld [smem:$0x3FAF]  }
0x2d: {  	s3 =	simm.s32 $0x108;
	s8 =	sld [smem:$0x3FB0]  }
0x2e: {  	s3 =	simm.s32 @!p0 $0x1082;
	s9 =	sld [smem:$0x3FB1]  }
0x2f: {  	lr =	sadd.s32 s0, s3;
	s0 =	sld [smem:$0x3FA8]  }
0x30: {  	s3 =	sld [smem:$0x3FAB]  }
0x31: {  	[smem:$0x3FB4] =	sst s10  }
0x32: {  	s10 =	sld [smem:$0x3FB2];
	_ =	sdelay $0x3  }
0x33: {  	p0 =	seq.s32 s10, $0x1;
	s10 =	sld [smem:$0x3FB4];
	_ =	sdelay $0x3  }
0x34: {  	[smem:$0x3FB4] =	sst s10  }
0x35: {  	s10 =	sld [smem:$0x3FB3];
	_ =	sdelay $0x3  }
0x36: {  	p1 =	seq.s32 s10, $0x1;
	s10 =	sld [smem:$0x3FB4];
	_ =	sdelay $0x3  }
0x37: {  	[smem:$0x3FB4] =	sst s10  }
0x38: {  	s10 =	sld [smem:$0x3FB5]  }
0x39: {  	_ = 	snop;
	(pc) =	sbr.ind lr, $3  }
0x3a: {  	_ = 	snop  }
0x3b: {  	_ = 	snop  }
0x3c: {  	p2 =	seq.s32 s10, $0x1;
	s10 =	sld [smem:$0x3FB4]  }
0x3d: {  	_ =	shalt  }
0x3e: {  	_ =	shalt  }
0x3f: {  	_ =	shalt  }
0x40: {  	_ =	shalt  }
0x41: {  	_ =	shalt  }
0x42: {  	_ =	shalt  }
0x43: {  	_ =	shalt  }
0x44: {  	_ =	shalt  }
0x45: {  	_ =	shalt  }
0x46: {  	_ =	shalt  }
0x47: {  	_ =	shalt  }
0x48: {  	_ =	shalt  }
0x49: {  	_ =	shalt  }
0x4a: {  	_ =	shalt  }
0x4b: {  	_ =	shalt  }
0x4c: {  	_ =	shalt  }
0x4d: {  	_ =	shalt  }
0x4e: {  	_ =	shalt  }
0x4f: {  	_ =	shalt  }
0x50: {  	_ =	shalt  }
0x51: {  	_ =	shalt  }
0x52: {  	_ =	shalt  }
0x53: {  	_ =	shalt  }
0x54: {  	_ =	shalt  }
0x55: {  	_ =	shalt  }
0x56: {  	_ =	shalt  }
0x57: {  	_ =	shalt  }
0x58: {  	_ =	shalt  }
0x59: {  	_ =	shalt  }
0x5a: {  	_ =	shalt  }
0x5b: {  	_ =	shalt  }
0x5c: {  	_ =	shalt  }
0x5d: {  	_ =	shalt  }
0x5e: {  	_ =	shalt  }
0x5f: {  	_ =	shalt  }
0x60: {  	_ =	shalt  }
0x61: {  	_ =	shalt  }
0x62: {  	_ =	shalt  }
0x63: {  	_ =	shalt  }
0x64: {  	_ =	shalt  }
0x65: {  	_ =	shalt  }
0x66: {  	_ =	shalt  }
0x67: {  	_ =	shalt  }
0x68: {  	_ =	shalt  }
0x69: {  	_ =	shalt  }
0x6a: {  	_ =	shalt  }
0x6b: {  	_ =	shalt  }
0x6c: {  	_ =	shalt  }
0x6d: {  	_ =	shalt  }
0x6e: {  	_ =	shalt  }
0x6f: {  	_ =	shalt  }
0x70: {  	_ =	shalt  }
0x71: {  	_ =	shalt  }
0x72: {  	_ =	shalt  }
0x73: {  	_ =	shalt  }
0x74: {  	_ =	shalt  }
0x75: {  	_ =	shalt  }
0x76: {  	_ =	shalt  }
0x77: {  	_ =	shalt  }
0x78: {  	_ =	shalt  }
0x79: {  	_ =	shalt  }
0x7a: {  	_ =	shalt  }
0x7b: {  	_ =	shalt  }
0x7c: {  	_ =	shalt  }
0x7d: {  	_ =	shalt  }
0x7e: {  	_ =	shalt  }
0x7f: {  	_ =	shalt  }
0x80: {  	_ =	shalt  }
0x81: {  	_ =	shalt  }
0x82: {  	_ =	shalt  }
0x83: {  	_ =	shalt  }
0x84: {  	_ =	shalt  }
0x85: {  	_ =	shalt  }
0x86: {  	_ =	shalt  }
0x87: {  	_ =	shalt  }
.Lfunc_end0:
.L_simem_size_0:
called_computation_lowered:
.L_overlay_start_0:
0x88: {  	s2 =	sld [smem:$0x3FD9]  }
0x89: {  	s3 =	sld [smem:$0x3FFE];
	_ =	sdelay $0x1  }
0x8a: {  	s1 =	srdreg.scid  }
0x8b: {  	s0 =	sand.u32 $0x1, s1  }
0x8c: {  	s17 =	sshll.u32 s0, $0xA;
	s2 =	sadd.s32 s3, s2  }
0x8d: {  	s2 =	sadd.s32 s2, s17  }
0x8e: {  	[smem:$0x3FC0] =	sst s2  }
0x8f: {  	_ = 	snop  }
0x90: {  	s2 =	sld [smem:$0x3FD0];
	(tm) =	ssettm $0x1  }
0x91: {  	s18 =	sld [smem:$0x3FFB];
	_ =	sdelay $0x3  }
0x92: {  	_ =	strace s18  }
0x93: {  	s3 =	sld [smem:$0x3FFC];
	_ =	sdelay $0x3  }
0x94: {  	_ =	strace s3  }
0x95: {  	s3 =	sld [smem:$0x3FFD];
	_ =	sdelay $0x3  }
0x96: {  	_ =	strace s3  }
0x97: {  	_ =	strace $0x8FFFFFFF  }
0x98: {  	s19 =	sld [smem:$0x3FDB];
	_ =	sdelay $0x1  }
0x99: {  	s4 =	simm.s32 $_scs_section_size  }
0x9a: {  	s5 =	simm.s32 $_size__tile_overlayer_lowered;
	s6 =	simm.s32 $_tile_overlayer_lowered  }
0x9b: {  	s22 =	simm.s32 $0x1BFF;
	s21 =	sshll.u32 s6, $0x1;
	s3 =	sadd.s32 s4, s19  }
0x9c: {  	s7 =	simm.s32 $0x0;
	s20 =	sshll.u32 s5, $0x1;
	s5 =	sadd.s32 s21, s3  }
0x9d: {  	[timem:s7], [sflag:s22] =	dma.local [hbm:s5], s20  }
0x9e: {  	_ =	swait.ge [sflag:s22], s20  }
0x9f: {  	s4 =	ssub.s32 $0x0, s20;
	[sflag:s22] =	ssyncset.done $0x0  }
0xa0: {  	[sflag:s22] =	ssyncadd.s32 s4;
	_ =	sdelay $0x1  }
0xa1: {  	s23 =	simm.s32 $0x1B8B  }
0xa2: {  	_ =	swait.ge [sflag:s23], $0x1  }
0xa3: {  	[sflag:s23] =	ssyncset.done $0x0  }
0xa4: {  	s25 =	simm.s32 $0x1B8E;
	s24 =	sld [smem:$0x3FFE];
	[sflag:s23] =	ssyncadd.s32 $0xFFFFFFFF  }
0xa5: {  	s26 =	simm.s32 $execute0_lowered;
	[smem:$0x3FD2] =	sst s25  }
0xa6: {  	s5 =	sshll.u32 s26, $0x1;
	_ =	strace $0x80000046;
	[dreg:$0x1] =	wrdreg $0xFFFFFFFF  }
0xa7: {  	s28 =	simm.s32 $_size_execute0_lowered;
	s3 =	sadd.s32 s3, s5;
	[dreg:$0x0] =	wrdreg $0x0  }
0xa8: {  	s5 =	sshll.u32 s28, $0x1;
	[dreg:$0x2] =	wrdreg s3  }
0xa9: {  	[dreg:$0x3] =	wrdreg s5  }
0xaa: {  	[dreg:$0x4] =	wrdreg $0xC0  }
0xab: {  	_ =	task [dreg:s7], $0x5FFFF  }
0xac: {  	[dreg:$0x1] =	wrdreg $0xFFFFFFFF  }
0xad: {  	[dreg:$0x0] =	wrdreg $0x60  }
0xae: {  	[dreg:$0x2] =	wrdreg s2  }
0xaf: {  	[dreg:$0x3] =	wrdreg s24  }
0xb0: {  	[dreg:$0x4] =	wrdreg $0x9  }
0xb1: {  	_ =	task.clear_ibuf [dreg:s7], $0x5FFFF;
	_ =	strace $0x90000046  }
0xb2: {  	s29 =	simm.s32 $0x9;
	_ =	strace $0x80000048  }
0xb3: {  	_ =	swait.ge [sflag:s29], $0x1  }
0xb4: {  	[sflag:s29] =	ssyncadd.s32 $0xFFFFFFFF  }
0xb5: {  	_ =	strace $0x90000048  }
0xb6: {  	_ =	sfence  }
0xb7: {  	s30 =	sld [smem:$0x0];
	_ =	sdelay $0x2  }
0xb8: {  	s31 =	sshll.u32 s1, $0xD;
	s1 =	sshrl.u32 s1, $0x2  }
0xb9: {  	s3 =	sand.u32 $0x4000, s31;
	s1 =	sadd.s32 s1, s30  }
0xba: {  	s0 =	sor.u32 s3, s0;
	s1 =	sshll.u32 s1, $0x11  }
0xbb: {  	s0 =	sor.u32 s1, s0  }
0xbc: {  	s0 =	sadd.s32 $0x8F2B, s0  }
0xbd: {  	[sflag:s0] =	ssyncadd.remote.s32 $0x1  }
0xbe: {  	_ =	sfence.sel $0xFFFF  }
0xbf: {  	[dreg:$0x0] =	wrdreg $0xFFFFFFFF;
	(pc) =	sbr.abs _section_cstart, $3  }
0xc0: {  	[dreg:$0x1] =	wrdreg $0xFFFFFFFF  }
0xc1: {  	_ =	task.clear_ibuf [dreg:s7], $0x2FFFF;
	_ =	strace $0x9FFFFFFF  }
0xc2: {  	(tm) =	ssettm $0x7FFFFFFF  }
0xc3: {  	_ =	shalt  }
tec
execute0_lowered:
.L_overlay_start_1:
0x0: {  	(tag) =	ssettag $0x1  }
0x1: {  	s0 =	srdreg.scid  }
0x2: {  	s3 =	sand.u32 $0x1, s0  }
0x3: {  	s4 =	rddreg [dreg:$0x0];
	s0 =	stileid.u32;
	s1 =	sshll.u32 s3, $0x4  }
0x4: {  	s5 =	rddreg [dreg:$0x1];
	s2 =	simm.s32 $0x0;
	s6 =	sor.u32 s0, s1  }
0x5: {  	s9 =	simm.s32 $0x400;
	[smem:$0x7FF] =	sst s2;
	s7 =	sshrl.u32 s6, $0x3  }
0x6: {  	s8 =	sshll.u32 s0, $0x7;
	s3 =	ssub.s32 $0x2, s3;
	s7 =	smul.u32 $0x14000, s7  }
0x7: {  	s1 =	rddreg [dreg:$0x2];
	s8 =	sand.u32 $0x380, s8;
	s6 =	smul.u32 $0x500, s6  }
0x8: {  	_ =	strace $0x80000047;
	s30 =	sshrl.u32 s3, $0x1;
	s7 =	sor.u32 s8, s7  }
0x9: {  	s31 =	ssub.s32 s3, s30;
	s3 =	sadd.s32 s4, s6;
	s7 =	sshrl.u32 s7, $0x3  }
0xa: {  	s6 =	simm.s32 $0x1;
	s8 =	simm.s32 $0x80;
	s5 =	sadd.s32 s7, s5  }
0xb: {  	v0 =	vimm.f32 $0.0e+00;
	v1 =	vimm.f32 $1.000000000e+00;
	s7 =	simm.s32 $0x2800;
	s4 =	sadd.s32 $0xCC00, s5;
	s5 =	smax.u32 s31, $0x1  }
.LBB2_1:
0xc: {  	s10 =	simm.s32 $0x40;
	s11 =	simm.s32 $0x0  }
.LBB2_2:
0xd: {  	p0 =	sne.s32 s10, $0x9FC0;
	[tilespmem:s11+$0x2800] =	vst v0;
	s11 =	smov.u32 s10;
	s10 =	sadd.s32 $0x40, s10  }
.Ltmp0:
0xe: {  	(pc) =	sbr.rel @p0 .LBB2_2-.Ltmp0, $2  }
0xf: {  	_ =	sdelay $0x2  }
0x10: {  	s11 =	sshra.s32 s11, $0x2  }
0x11: {  	[tilespmem:s11+$0x2800] =	vst v0;
	s10 =	simm.s32 $0x0  }
0x12: {  	[tilespmem:s10], [sflag:$0x1] =	stream.linear.gather [hbm4b:s3+s10], $0x2800, $0x38;
	[tilespmem:$0x5000] =	vst v63  }
0x13: {  	_ =	swait.ge [sflag:s6], $0x2800  }
0x14: {  	[sflag:s6] =	ssyncset.done $0x0  }
0x15: {  	s11 =	simm.s32 $0x0;
	s10 =	simm.s32 $0x40;
	[sflag:s6] =	ssyncadd.s32 $0xFFFFD800  }
.LBB2_4:
0x16: {  	p0 =	sne.s32 s10, $0x9FC0;
	v2 =	vld [tilespmem:s11+$0x0];
	_ =	sdelay $0x3  }
.Ltmp1:
0x17: {  	(pc) =	sbr.rel @p0 .LBB2_4-.Ltmp1, $2  }
0x18: {  	_ =	sdelay $0x2  }
0x19: {  	s11 =	sshra.s32 s10, $0x2;
	s10 =	sadd.s32 $0x40, s10;
	[tilespmem:v2+s7+$0x0] =	vst.idx.add.f32.msk $0xffff, v1  }
0x1a: {  	v2 =	vld [tilespmem:s11+$0x0];
	_ =	sdelay $0x5  }
0x1b: {  	s2 =	sadd.s32 $0x1, s2  }
0x1c: {  	p0 =	sne.s32 s2, s5  }
.Ltmp2:
0x1d: {  	[tilespmem:v2+s7+$0x0] =	vst.idx.add.f32.msk $0xffff, v1;
	(pc) =	sbr.rel @p0 .LBB2_1-.Ltmp2, $4  }
0x1e: {  	[hbm4b:s4+s8] =	stream.strided.scatter [tilespmem:s7], [sflag:$0x1], $0x2800, s9, s8, $0x38;
	[tilespmem:$0x5000] =	vst v63  }
0x1f: {  	_ =	swait.ge [sflag:s6], $0x2800  }
0x20: {  	[sflag:s6] =	ssyncset.done $0x0  }
0x21: {  	[sflag:s6] =	ssyncadd.s32 $0xFFFFD800  }
0x22: {  	_ =	sfence.sel $0x180000  }
0x23: {  	[bflag:$0x0] =	sbarrier.arrive $0xFFFF  }
0x24: {  	p0 =	sne.s32 s0, $0x0;
	_ =	strace $0x90000047  }
0x25: {  	s0 =	sadd.s32 @!p0 $0x100000, s1;
	[bflag:$0x2] =	sbarrier.arrive $0xFFFF  }
0x26: {  	[sflag:s0] =	ssyncadd.tile.s32 @!p0 $0x1;
	_ =	shalt  }
.Lfunc_end2:
_tile_overlayer_lowered:
.L_overlay_start_2:
0x27: {  	(tag) =	ssettag $0x2  }
0x28: {  	s0 =	rddreg [dreg:$0x0];
	s2 =	stileid.u32  }
0x29: {  	s1 =	rddreg [dreg:$0x1];
	p0 =	sne.s32 s2, $0x0  }
0x2a: {  	s3 =	rddreg [dreg:$0x2];
	[bflag:$0x3] =	sbarrier.arrive $0xFFFF;
	s2 =	simm.s32 @!p0 $0x1C01  }
0x2b: {  	[timem:s3], [sflag:s2] =	dma.local @!p0 [hbm:s0], s1  }
0x2c: {  	s0 =	simm.s32 @!p0 $0x1  }
0x2d: {  	_ =	swait.ge @!p0 [sflag:s0], s1  }
0x2e: {  	s1 =	ssub.s32 @!p0 $0x0, s1;
	[sflag:s0] =	ssyncset.done @!p0 $0x0  }
0x2f: {  	[sflag:s0] =	ssyncadd.s32 @!p0 s1  }
0x30: {  	[bflag:$0x3] =	sbarrier.arrive $0xFFFF  }
0x31: {  	_ =	shalt  }

</sc_bundles>
